<compile_context>
chip_gen: v7x
topology: tpu7x:2x2x1
jax: 0.10.2.dev20260603
libtpu: 0.0.44.dev20260713+nightly
codegen_flags: <defaults>
</compile_context>

<pallas_src>
import functools

import numpy as np
import jax
import jax.numpy as jnp
from jax import lax
from jax.experimental import pallas as pl
from jax.experimental.pallas import tpu as pltpu
from jax.experimental.pallas import tpu_sc as plsc

N_TREES = 100
DEPTH = 9
NPT = 2 ** (DEPTH + 1) - 1
C = 8
M = 2000
NG = 4
CG = C * NG
TG = 4
NGRP = N_TREES // TG
LANES = TG * CG
ROWS = 2 ** (DEPTH + 1)
NW = 32
CHUNK = 128


def _level_perm() -> np.ndarray:
    p = np.zeros(ROWS, np.int64)
    for d in range(DEPTH + 1):
        n = 1 << d
        q = np.arange(n)
        r = np.zeros(n, np.int64)
        for b in range(d):
            r |= ((q >> b) & 1) << (d - 1 - b)
        p[n + q] = (n - 1) + r
    return p


_PERM = _level_perm()

_IL = np.arange(LANES)
_S_NP = ((_IL[:, None] // CG == _IL[None, :] // CG)
         & (_IL[:, None] % NG == _IL[None, :] % NG)).astype(np.float32)


def _emis_table_body(lbt_ref, bt_ref):
    lbt = lbt_ref[...]
    mx = jnp.max(lbt, axis=0, keepdims=True)
    e = jnp.exp(lbt - mx)
    bt_ref[...] = e / jnp.sum(e, axis=0, keepdims=True)


def _emis_table(lbt):
    return pl.pallas_call(
        _emis_table_body,
        out_shape=jax.ShapeDtypeStruct((M, CG), jnp.float32),
    )(lbt)


def _gather_body(table_hbm, idx_hbm, out_hbm, idx_v, rows_v, sem):
    wid = lax.axis_index("s") * 2 + lax.axis_index("c")

    for ch in range(TG):
        @pl.when(wid < NGRP)
        def _():
            pltpu.sync_copy(idx_hbm.at[wid, pl.ds(ch * ROWS, ROWS)], idx_v)
            copies = []
            for k in range(ROWS // CHUNK):
                copies.append(pltpu.async_copy(
                    table_hbm.at[idx_v.at[pl.ds(k * CHUNK, CHUNK)]],
                    rows_v.at[pl.ds(k * CHUNK, CHUNK), :],
                    sem))
            for cp in copies:
                cp.wait()
            pltpu.sync_copy(rows_v, out_hbm.at[wid, ch])


def _gather_rows(table, xpi):
    mesh = plsc.VectorSubcoreMesh(core_axis_name="c", subcore_axis_name="s")
    fn = functools.partial(
        pl.kernel,
        mesh=mesh,
        out_type=jax.ShapeDtypeStruct((NGRP, TG, ROWS, CG), jnp.float32),
        scratch_types=[
            pltpu.VMEM((ROWS,), jnp.int32),
            pltpu.VMEM((ROWS, CG), jnp.float32),
            pltpu.SemaphoreType.DMA,
        ],
        compiler_params=pltpu.CompilerParams(use_tc_tiling_on_sc=False),
    )(_gather_body)
    return fn(table, xpi)


GB = 25


_LN2 = 0.6931471805599453


def _upward_body(e_ref, w_ref, p_ref, s_ref, out_ref):
    E = e_ref[...]
    S = s_ref[...]

    def bcast_dot(a3, mat):
        n = a3.shape[1]
        a2 = a3.reshape(GB * n, LANES)
        return jnp.dot(a2, mat, preferred_element_type=jnp.float32).reshape(
            GB, n, LANES)

    def pow2_norm(u3):
        nu = bcast_dot(u3, S)
        bits = lax.bitcast_convert_type(nu, jnp.int32)
        k = jnp.right_shift(bits, 23) - 127
        scale = lax.bitcast_convert_type(
            jnp.left_shift(127 - k, 23), jnp.float32)
        return u3 * scale, k, nu * scale

    NL = 1 << DEPTH
    b = E[:, NL:2 * NL, :] * p_ref[DEPTH][None, None, :]
    beta, k3, sig = pow2_norm(b)
    acc_k = jnp.sum(k3, axis=1)
    for d in range(DEPTH, 0, -1):
        n = 1 << d
        buv = bcast_dot(beta, w_ref[d])
        u2 = buv[:, :n // 2, :] * buv[:, n // 2:n, :]
        P = E[:, n // 2:n, :] * p_ref[d - 1][None, None, :]
        u = P * P * u2
        beta, k3, sig = pow2_norm(u)
        acc_k = acc_k + jnp.sum(k3, axis=1)
    out = acc_k.astype(jnp.float32) * _LN2 + jnp.log(sig[:, 0, :])
    out_ref[...] = out[:, None, :]


def _upward(E3, W, p128):
    return pl.pallas_call(
        _upward_body,
        grid=(NGRP // GB,),
        in_specs=[
            pl.BlockSpec((GB, ROWS, LANES), lambda i: (i, 0, 0)),
            pl.BlockSpec((DEPTH + 1, LANES, LANES), lambda i: (0, 0, 0)),
            pl.BlockSpec((DEPTH + 1, LANES), lambda i: (0, 0)),
            pl.BlockSpec((LANES, LANES), lambda i: (0, 0)),
        ],
        out_specs=pl.BlockSpec((GB, 1, LANES), lambda i: (i, 0, 0)),
        out_shape=jax.ShapeDtypeStruct((NGRP, 1, LANES), jnp.float32),
    )(E3, W, p128, jnp.asarray(_S_NP))


def kernel(x, lambda_A, lambda_B, lambda_Pi):
    A = jax.nn.softmax(lambda_A, axis=0)
    Pi = jax.nn.softmax(lambda_Pi, axis=0)
    ps = [Pi]
    for _ in range(DEPTH):
        ps.append(jnp.einsum('ijg,jg->ig', A, ps[-1]))
    p_all = jnp.stack(ps)
    p128 = jnp.tile(p_all.reshape(DEPTH + 1, CG), (1, TG))
    eye_g = jnp.eye(NG, dtype=jnp.float32)
    ws = []
    for d in range(DEPTH + 1):
        Ad = A / p_all[d][:, None, :]
        w32 = jnp.einsum('ijg,gh->igjh', Ad, eye_g).reshape(CG, CG)
        ws.append(jnp.kron(jnp.eye(TG, dtype=jnp.float32), w32))
    W = jnp.stack(ws)

    lbt = jnp.transpose(lambda_B, (1, 0, 2)).reshape(M, CG)
    x2 = x.reshape(N_TREES, NPT).astype(jnp.int32)
    xp = x2[:, _PERM]
    xpi = xp.reshape(NGRP, TG, ROWS).transpose(0, 2, 1).reshape(NGRP, TG * ROWS)

    table = _emis_table(lbt)
    E4 = _gather_rows(table, xpi)
    E3 = E4.reshape(NGRP, ROWS, LANES)
    out128 = _upward(E3, W, p128)
    return out128.reshape(NGRP, TG, CG)[:, :, :NG].reshape(N_TREES, NG)

# --- scband reference (transcript-rebuilt; emitter-appended) ---
"""Pipeline reference for scband-top-down-htmm-15564961481297 (READ-ONLY COPY).

The authoritative reference and input builder live on the scoring server;
editing this copy changes nothing except your own understanding.
"""

import jax, jax.numpy as jnp
import numpy as np

N_TREES = 100
DEPTH = 9
NPT = 2 ** (DEPTH + 1) - 1
N_NODES = N_TREES * NPT
C = 8
M = 2000
N_GEN = 4


def build_tree():
    offs = np.arange(N_TREES)[:, None] * NPT
    roots = (np.arange(N_TREES) * NPT).astype(np.int32)
    leaves = (offs + np.arange(2 ** DEPTH - 1, NPT)[None, :]).reshape(-1).astype(np.int32)
    levels = []
    for d in range(1, DEPTH + 1):
        ch_local = np.arange(2 ** d - 1, 2 ** (d + 1) - 1)
        pa_local = (ch_local - 1) // 2
        ch = (offs + ch_local[None, :]).reshape(-1).astype(np.int32)
        pa = (offs + pa_local[None, :]).reshape(-1).astype(np.int32)
        levels.append((pa, ch))
    inv_map = np.arange(N_NODES, dtype=np.int32)
    trees_ind = np.repeat(np.arange(N_TREES), NPT).astype(np.int32)
    return {'dim': N_NODES, 'roots': roots, 'leaves': leaves, 'levels': levels,
            'inv_map': inv_map, 'trees_ind': trees_ind, 'n_trees': N_TREES}


def _forward(x, lambda_A, lambda_B, lambda_Pi):
    tree = build_tree()
    A = jax.nn.softmax(lambda_A, axis=0)
    B = jax.nn.softmax(lambda_B, axis=1)
    Pi = jax.nn.softmax(lambda_Pi, axis=0)
    N = tree['dim']
    prior = jnp.zeros((N, C, N_GEN), dtype=jnp.float32)
    prior = prior.at[tree['roots']].set(Pi)
    for pa, ch in tree['levels']:
        prior_pa = prior[pa][:, None, :, :]
        prior_l = (A[None, :, :, :] * prior_pa).sum(2)
        prior = prior.at[ch].set(prior_l)
    emis = jnp.transpose(B[:, x[tree['inv_map']], :], (1, 0, 2))
    beta = prior * emis
    t_beta = jnp.zeros((N, C, N_GEN), dtype=jnp.float32)
    log_likelihood = jnp.zeros((N, N_GEN), dtype=jnp.float32)
    leaves = tree['leaves']
    beta_leaves_unnorm = beta[leaves]
    nu = beta_leaves_unnorm.sum(axis=1)
    beta = beta.at[leaves].set(beta_leaves_unnorm / nu[:, None, :])
    log_likelihood = log_likelihood.at[leaves].set(jnp.log(nu))
    for pa, ch in reversed(tree['levels']):
        beta_ch = beta[ch][:, :, None, :]
        prior_l = prior[ch][:, :, None, :]
        beta_uv = (A[None, :, :, :] * beta_ch / prior_l).sum(1)
        t_beta = t_beta.at[ch].set(beta_uv)
        pa_idx = np.unique(pa)
        prev_beta = beta[pa_idx]
        beta = beta.at[pa].multiply(beta_uv)
        beta_l_unnorm = prev_beta * beta[pa_idx]
        nu = beta_l_unnorm.sum(axis=1)
        beta = beta.at[pa_idx].set(beta_l_unnorm / nu[:, None, :])
        log_likelihood = log_likelihood.at[pa_idx].set(jnp.log(nu))
    out = jax.ops.segment_sum(log_likelihood, jnp.asarray(tree['trees_ind']), num_segments=tree['n_trees'])
    return out


def setup_inputs(seed: int = 0):
    key = jax.random.key(seed)
    k1, k2, k3, k4 = jax.random.split(key, 4)
    x = jax.random.randint(k1, (N_NODES,), 0, M)
    lambda_A = jax.random.uniform(k2, (C, C, N_GEN), dtype=jnp.float32)
    lambda_B = jax.random.uniform(k3, (C, M, N_GEN), dtype=jnp.float32)
    lambda_Pi = jax.random.uniform(k4, (C, N_GEN), dtype=jnp.float32)
    return {'x': x, 'lambda_A': lambda_A, 'lambda_B': lambda_B, 'lambda_Pi': lambda_Pi}


def reference(x, lambda_A, lambda_B, lambda_Pi):
    return _forward(x, lambda_A, lambda_B, lambda_Pi)

if __name__ == "__main__":
    import jax
    _d = setup_inputs()
    print(jax.jit(kernel)(*tuple(_d.values())))

</pallas_src>

<mosaic_0001>
#map = affine_map<(d0, d1) -> (0, 0)>
#map1 = affine_map<(d0, d1) -> (0, 0, 0, 0)>
module attributes {stable_mosaic.version = 14 : i64} {
  func.func @_gather_body(%arg0: i32, %arg1: i32, %arg2: memref<2000x32xf32, #tpu.memory_space<hbm>>, %arg3: memref<25x4096xi32, #tpu.memory_space<hbm>>, %arg4: memref<25x4x1024x32xf32, #tpu.memory_space<hbm>>, %arg5: memref<1024xi32, #tpu.memory_space<vmem>>, %arg6: memref<1024x32xf32, #tpu.memory_space<vmem>>, %arg7: memref<!tpu.dma_semaphore, #tpu.memory_space<semaphore_mem>>) attributes {dimension_semantics = [#tpu.dimension_semantics<core_parallel>, #tpu.dimension_semantics<subcore_parallel>], iteration_bounds = array<i64: 2, 16>, scalar_prefetch = 0 : i64, scratch_operands = 3 : i64, tpu.core_type = #tpu.core_type<sc_vector_subcore>, window_params = [{transform_indices = #map}, {transform_indices = #map}, {transform_indices = #map1}]} {
    %mul3A = arith.constant 2 : i32
    %mul3A_0 = arith.muli %arg1, %mul3A : i32
    %add3A = arith.addi %mul3A_0, %arg0 : i32
    %lt3A = arith.constant 25 : i32
    %lt3A_1 = arith.cmpi slt, %add3A, %lt3A : i32
    %convert_element_type3A = arith.extui %lt3A_1 : i1 to i32
    %cond3A = arith.constant 0 : i32
    %cond3A_2 = arith.cmpi ne, %convert_element_type3A, %cond3A : i32
    scf.if %cond3A_2 {
      "tpu.region"() ({
        %run_scoped3A_144 = tpu.sem_alloc : memref<!tpu.dma_semaphore, #tpu.memory_space<semaphore_mem>>
        %dma_start3A_145 = arith.constant 0 : i32
        %dma_start3A_146 = tpu.memref_slice %arg3[%add3A, %dma_start3A_145] : memref<25x4096xi32, #tpu.memory_space<hbm>> -> memref<1x1024xi32, #tpu.memory_space<hbm>>
        %dma_start3A_147 = tpu.memref_squeeze %dma_start3A_146 : memref<1x1024xi32, #tpu.memory_space<hbm>> -> memref<1024xi32, #tpu.memory_space<hbm>>
        %dma_start3A_148 = arith.constant 0 : i32
        %dma_start3A_149 = tpu.memref_slice %arg3[%add3A, %dma_start3A_148] : memref<25x4096xi32, #tpu.memory_space<hbm>> -> memref<1x1024xi32, #tpu.memory_space<hbm>>
        %dma_start3A_150 = tpu.memref_squeeze %dma_start3A_149 : memref<1x1024xi32, #tpu.memory_space<hbm>> -> memref<1024xi32, #tpu.memory_space<hbm>>
        tpu.enqueue_dma source(%dma_start3A_150 : memref<1024xi32, #tpu.memory_space<hbm>>) target(%arg5 : memref<1024xi32, #tpu.memory_space<vmem>>) target_semaphore(%run_scoped3A_144 : memref<!tpu.dma_semaphore, #tpu.memory_space<semaphore_mem>>)
        %dma_wait3A_151 = arith.constant 0 : i32
        %dma_wait3A_152 = tpu.memref_slice %arg3[%add3A, %dma_wait3A_151] : memref<25x4096xi32, #tpu.memory_space<hbm>> -> memref<1x1024xi32, #tpu.memory_space<hbm>>
        %dma_wait3A_153 = tpu.memref_squeeze %dma_wait3A_152 : memref<1x1024xi32, #tpu.memory_space<hbm>> -> memref<1024xi32, #tpu.memory_space<hbm>>
        %dma_wait3A_154 = arith.constant 0 : i32
        %dma_wait3A_155 = tpu.memref_slice %arg3[%add3A, %dma_wait3A_154] : memref<25x4096xi32, #tpu.memory_space<hbm>> -> memref<1x1024xi32, #tpu.memory_space<hbm>>
        %dma_wait3A_156 = tpu.memref_squeeze %dma_wait3A_155 : memref<1x1024xi32, #tpu.memory_space<hbm>> -> memref<1024xi32, #tpu.memory_space<hbm>>
        tpu.wait_dma2 semaphore(%run_scoped3A_144 : memref<!tpu.dma_semaphore, #tpu.memory_space<semaphore_mem>>) src(%dma_wait3A_156 : memref<1024xi32, #tpu.memory_space<hbm>>) dst(%arg5 : memref<1024xi32, #tpu.memory_space<vmem>>)
        tpu.yield
      }) : () -> ()
      %dma_start3A = arith.constant 0 : i32
      %dma_start3A_18 = arith.constant 0 : i32
      %dma_start3A_19 = tpu.memref_slice %arg6[%dma_start3A, %dma_start3A_18] : memref<1024x32xf32, #tpu.memory_space<vmem>> -> memref<128x32xf32, #tpu.memory_space<vmem>>
      %dma_start3A_20 = arith.constant 0 : i32
      %dma_start3A_21 = tpu.memref_slice %arg5[%dma_start3A_20] : memref<1024xi32, #tpu.memory_space<vmem>> -> memref<128xi32, #tpu.memory_space<vmem>>
      %dma_start3A_22 = arith.constant 0 : i32
      %dma_start3A_23 = arith.constant 0 : i32
      %dma_start3A_24 = tpu.memref_slice %arg2[%dma_start3A_22, %dma_start3A_23] : memref<2000x32xf32, #tpu.memory_space<hbm>> -> memref<2000x32xf32, #tpu.memory_space<hbm>>
      tpu.enqueue_indirect_dma source(%dma_start3A_24 : memref<2000x32xf32, #tpu.memory_space<hbm>>) target(%dma_start3A_19 : memref<128x32xf32, #tpu.memory_space<vmem>>) offsets(%dma_start3A_21 : memref<128xi32, #tpu.memory_space<vmem>>) semaphore(%arg7 : memref<!tpu.dma_semaphore, #tpu.memory_space<semaphore_mem>>)
      %dma_start3A_25 = arith.constant 128 : i32
      %dma_start3A_26 = arith.constant 0 : i32
      %dma_start3A_27 = tpu.memref_slice %arg6[%dma_start3A_25, %dma_start3A_26] : memref<1024x32xf32, #tpu.memory_space<vmem>> -> memref<128x32xf32, #tpu.memory_space<vmem>>
      %dma_start3A_28 = arith.constant 128 : i32
      %dma_start3A_29 = tpu.memref_slice %arg5[%dma_start3A_28] : memref<1024xi32, #tpu.memory_space<vmem>> -> memref<128xi32, #tpu.memory_space<vmem>>
      %dma_start3A_30 = arith.constant 0 : i32
      %dma_start3A_31 = arith.constant 0 : i32
      %dma_start3A_32 = tpu.memref_slice %arg2[%dma_start3A_30, %dma_start3A_31] : memref<2000x32xf32, #tpu.memory_space<hbm>> -> memref<2000x32xf32, #tpu.memory_space<hbm>>
      tpu.enqueue_indirect_dma source(%dma_start3A_32 : memref<2000x32xf32, #tpu.memory_space<hbm>>) target(%dma_start3A_27 : memref<128x32xf32, #tpu.memory_space<vmem>>) offsets(%dma_start3A_29 : memref<128xi32, #tpu.memory_space<vmem>>) semaphore(%arg7 : memref<!tpu.dma_semaphore, #tpu.memory_space<semaphore_mem>>)
      %dma_start3A_33 = arith.constant 256 : i32
      %dma_start3A_34 = arith.constant 0 : i32
      %dma_start3A_35 = tpu.memref_slice %arg6[%dma_start3A_33, %dma_start3A_34] : memref<1024x32xf32, #tpu.memory_space<vmem>> -> memref<128x32xf32, #tpu.memory_space<vmem>>
      %dma_start3A_36 = arith.constant 256 : i32
      %dma_start3A_37 = tpu.memref_slice %arg5[%dma_start3A_36] : memref<1024xi32, #tpu.memory_space<vmem>> -> memref<128xi32, #tpu.memory_space<vmem>>
      %dma_start3A_38 = arith.constant 0 : i32
      %dma_start3A_39 = arith.constant 0 : i32
      %dma_start3A_40 = tpu.memref_slice %arg2[%dma_start3A_38, %dma_start3A_39] : memref<2000x32xf32, #tpu.memory_space<hbm>> -> memref<2000x32xf32, #tpu.memory_space<hbm>>
      tpu.enqueue_indirect_dma source(%dma_start3A_40 : memref<2000x32xf32, #tpu.memory_space<hbm>>) target(%dma_start3A_35 : memref<128x32xf32, #tpu.memory_space<vmem>>) offsets(%dma_start3A_37 : memref<128xi32, #tpu.memory_space<vmem>>) semaphore(%arg7 : memref<!tpu.dma_semaphore, #tpu.memory_space<semaphore_mem>>)
      %dma_start3A_41 = arith.constant 384 : i32
      %dma_start3A_42 = arith.constant 0 : i32
      %dma_start3A_43 = tpu.memref_slice %arg6[%dma_start3A_41, %dma_start3A_42] : memref<1024x32xf32, #tpu.memory_space<vmem>> -> memref<128x32xf32, #tpu.memory_space<vmem>>
      %dma_start3A_44 = arith.constant 384 : i32
      %dma_start3A_45 = tpu.memref_slice %arg5[%dma_start3A_44] : memref<1024xi32, #tpu.memory_space<vmem>> -> memref<128xi32, #tpu.memory_space<vmem>>
      %dma_start3A_46 = arith.constant 0 : i32
      %dma_start3A_47 = arith.constant 0 : i32
      %dma_start3A_48 = tpu.memref_slice %arg2[%dma_start3A_46, %dma_start3A_47] : memref<2000x32xf32, #tpu.memory_space<hbm>> -> memref<2000x32xf32, #tpu.memory_space<hbm>>
      tpu.enqueue_indirect_dma source(%dma_start3A_48 : memref<2000x32xf32, #tpu.memory_space<hbm>>) target(%dma_start3A_43 : memref<128x32xf32, #tpu.memory_space<vmem>>) offsets(%dma_start3A_45 : memref<128xi32, #tpu.memory_space<vmem>>) semaphore(%arg7 : memref<!tpu.dma_semaphore, #tpu.memory_space<semaphore_mem>>)
      %dma_start3A_49 = arith.constant 512 : i32
      %dma_start3A_50 = arith.constant 0 : i32
      %dma_start3A_51 = tpu.memref_slice %arg6[%dma_start3A_49, %dma_start3A_50] : memref<1024x32xf32, #tpu.memory_space<vmem>> -> memref<128x32xf32, #tpu.memory_space<vmem>>
      %dma_start3A_52 = arith.constant 512 : i32
      %dma_start3A_53 = tpu.memref_slice %arg5[%dma_start3A_52] : memref<1024xi32, #tpu.memory_space<vmem>> -> memref<128xi32, #tpu.memory_space<vmem>>
      %dma_start3A_54 = arith.constant 0 : i32
      %dma_start3A_55 = arith.constant 0 : i32
      %dma_start3A_56 = tpu.memref_slice %arg2[%dma_start3A_54, %dma_start3A_55] : memref<2000x32xf32, #tpu.memory_space<hbm>> -> memref<2000x32xf32, #tpu.memory_space<hbm>>
      tpu.enqueue_indirect_dma source(%dma_start3A_56 : memref<2000x32xf32, #tpu.memory_space<hbm>>) target(%dma_start3A_51 : memref<128x32xf32, #tpu.memory_space<vmem>>) offsets(%dma_start3A_53 : memref<128xi32, #tpu.memory_space<vmem>>) semaphore(%arg7 : memref<!tpu.dma_semaphore, #tpu.memory_space<semaphore_mem>>)
      %dma_start3A_57 = arith.constant 640 : i32
      %dma_start3A_58 = arith.constant 0 : i32
      %dma_start3A_59 = tpu.memref_slice %arg6[%dma_start3A_57, %dma_start3A_58] : memref<1024x32xf32, #tpu.memory_space<vmem>> -> memref<128x32xf32, #tpu.memory_space<vmem>>
      %dma_start3A_60 = arith.constant 640 : i32
      %dma_start3A_61 = tpu.memref_slice %arg5[%dma_start3A_60] : memref<1024xi32, #tpu.memory_space<vmem>> -> memref<128xi32, #tpu.memory_space<vmem>>
      %dma_start3A_62 = arith.constant 0 : i32
      %dma_start3A_63 = arith.constant 0 : i32
      %dma_start3A_64 = tpu.memref_slice %arg2[%dma_start3A_62, %dma_start3A_63] : memref<2000x32xf32, #tpu.memory_space<hbm>> -> memref<2000x32xf32, #tpu.memory_space<hbm>>
      tpu.enqueue_indirect_dma source(%dma_start3A_64 : memref<2000x32xf32, #tpu.memory_space<hbm>>) target(%dma_start3A_59 : memref<128x32xf32, #tpu.memory_space<vmem>>) offsets(%dma_start3A_61 : memref<128xi32, #tpu.memory_space<vmem>>) semaphore(%arg7 : memref<!tpu.dma_semaphore, #tpu.memory_space<semaphore_mem>>)
      %dma_start3A_65 = arith.constant 768 : i32
      %dma_start3A_66 = arith.constant 0 : i32
      %dma_start3A_67 = tpu.memref_slice %arg6[%dma_start3A_65, %dma_start3A_66] : memref<1024x32xf32, #tpu.memory_space<vmem>> -> memref<128x32xf32, #tpu.memory_space<vmem>>
      %dma_start3A_68 = arith.constant 768 : i32
      %dma_start3A_69 = tpu.memref_slice %arg5[%dma_start3A_68] : memref<1024xi32, #tpu.memory_space<vmem>> -> memref<128xi32, #tpu.memory_space<vmem>>
      %dma_start3A_70 = arith.constant 0 : i32
      %dma_start3A_71 = arith.constant 0 : i32
      %dma_start3A_72 = tpu.memref_slice %arg2[%dma_start3A_70, %dma_start3A_71] : memref<2000x32xf32, #tpu.memory_space<hbm>> -> memref<2000x32xf32, #tpu.memory_space<hbm>>
      tpu.enqueue_indirect_dma source(%dma_start3A_72 : memref<2000x32xf32, #tpu.memory_space<hbm>>) target(%dma_start3A_67 : memref<128x32xf32, #tpu.memory_space<vmem>>) offsets(%dma_start3A_69 : memref<128xi32, #tpu.memory_space<vmem>>) semaphore(%arg7 : memref<!tpu.dma_semaphore, #tpu.memory_space<semaphore_mem>>)
      %dma_start3A_73 = arith.constant 896 : i32
      %dma_start3A_74 = arith.constant 0 : i32
      %dma_start3A_75 = tpu.memref_slice %arg6[%dma_start3A_73, %dma_start3A_74] : memref<1024x32xf32, #tpu.memory_space<vmem>> -> memref<128x32xf32, #tpu.memory_space<vmem>>
      %dma_start3A_76 = arith.constant 896 : i32
      %dma_start3A_77 = tpu.memref_slice %arg5[%dma_start3A_76] : memref<1024xi32, #tpu.memory_space<vmem>> -> memref<128xi32, #tpu.memory_space<vmem>>
      %dma_start3A_78 = arith.constant 0 : i32
      %dma_start3A_79 = arith.constant 0 : i32
      %dma_start3A_80 = tpu.memref_slice %arg2[%dma_start3A_78, %dma_start3A_79] : memref<2000x32xf32, #tpu.memory_space<hbm>> -> memref<2000x32xf32, #tpu.memory_space<hbm>>
      tpu.enqueue_indirect_dma source(%dma_start3A_80 : memref<2000x32xf32, #tpu.memory_space<hbm>>) target(%dma_start3A_75 : memref<128x32xf32, #tpu.memory_space<vmem>>) offsets(%dma_start3A_77 : memref<128xi32, #tpu.memory_space<vmem>>) semaphore(%arg7 : memref<!tpu.dma_semaphore, #tpu.memory_space<semaphore_mem>>)
      %dma_wait3A = arith.constant 0 : i32
      %dma_wait3A_81 = arith.constant 0 : i32
      %dma_wait3A_82 = tpu.memref_slice %arg6[%dma_wait3A, %dma_wait3A_81] : memref<1024x32xf32, #tpu.memory_space<vmem>> -> memref<128x32xf32, #tpu.memory_space<vmem>>
      %dma_wait3A_83 = arith.constant 0 : i32
      %dma_wait3A_84 = tpu.memref_slice %arg5[%dma_wait3A_83] : memref<1024xi32, #tpu.memory_space<vmem>> -> memref<128xi32, #tpu.memory_space<vmem>>
      %dma_wait3A_85 = arith.constant 0 : i32
      %dma_wait3A_86 = arith.constant 0 : i32
      %dma_wait3A_87 = tpu.memref_slice %arg2[%dma_wait3A_85, %dma_wait3A_86] : memref<2000x32xf32, #tpu.memory_space<hbm>> -> memref<2000x32xf32, #tpu.memory_space<hbm>>
      tpu.wait_indirect_dma semaphore(%arg7 : memref<!tpu.dma_semaphore, #tpu.memory_space<semaphore_mem>>) src(%dma_wait3A_87 : memref<2000x32xf32, #tpu.memory_space<hbm>>) dst(%dma_wait3A_82 : memref<128x32xf32, #tpu.memory_space<vmem>>)
      %dma_wait3A_88 = arith.constant 128 : i32
      %dma_wait3A_89 = arith.constant 0 : i32
      %dma_wait3A_90 = tpu.memref_slice %arg6[%dma_wait3A_88, %dma_wait3A_89] : memref<1024x32xf32, #tpu.memory_space<vmem>> -> memref<128x32xf32, #tpu.memory_space<vmem>>
      %dma_wait3A_91 = arith.constant 128 : i32
      %dma_wait3A_92 = tpu.memref_slice %arg5[%dma_wait3A_91] : memref<1024xi32, #tpu.memory_space<vmem>> -> memref<128xi32, #tpu.memory_space<vmem>>
      %dma_wait3A_93 = arith.constant 0 : i32
      %dma_wait3A_94 = arith.constant 0 : i32
      %dma_wait3A_95 = tpu.memref_slice %arg2[%dma_wait3A_93, %dma_wait3A_94] : memref<2000x32xf32, #tpu.memory_space<hbm>> -> memref<2000x32xf32, #tpu.memory_space<hbm>>
      tpu.wait_indirect_dma semaphore(%arg7 : memref<!tpu.dma_semaphore, #tpu.memory_space<semaphore_mem>>) src(%dma_wait3A_95 : memref<2000x32xf32, #tpu.memory_space<hbm>>) dst(%dma_wait3A_90 : memref<128x32xf32, #tpu.memory_space<vmem>>)
      %dma_wait3A_96 = arith.constant 256 : i32
      %dma_wait3A_97 = arith.constant 0 : i32
      %dma_wait3A_98 = tpu.memref_slice %arg6[%dma_wait3A_96, %dma_wait3A_97] : memref<1024x32xf32, #tpu.memory_space<vmem>> -> memref<128x32xf32, #tpu.memory_space<vmem>>
      %dma_wait3A_99 = arith.constant 256 : i32
      %dma_wait3A_100 = tpu.memref_slice %arg5[%dma_wait3A_99] : memref<1024xi32, #tpu.memory_space<vmem>> -> memref<128xi32, #tpu.memory_space<vmem>>
      %dma_wait3A_101 = arith.constant 0 : i32
      %dma_wait3A_102 = arith.constant 0 : i32
      %dma_wait3A_103 = tpu.memref_slice %arg2[%dma_wait3A_101, %dma_wait3A_102] : memref<2000x32xf32, #tpu.memory_space<hbm>> -> memref<2000x32xf32, #tpu.memory_space<hbm>>
      tpu.wait_indirect_dma semaphore(%arg7 : memref<!tpu.dma_semaphore, #tpu.memory_space<semaphore_mem>>) src(%dma_wait3A_103 : memref<2000x32xf32, #tpu.memory_space<hbm>>) dst(%dma_wait3A_98 : memref<128x32xf32, #tpu.memory_space<vmem>>)
      %dma_wait3A_104 = arith.constant 384 : i32
      %dma_wait3A_105 = arith.constant 0 : i32
      %dma_wait3A_106 = tpu.memref_slice %arg6[%dma_wait3A_104, %dma_wait3A_105] : memref<1024x32xf32, #tpu.memory_space<vmem>> -> memref<128x32xf32, #tpu.memory_space<vmem>>
      %dma_wait3A_107 = arith.constant 384 : i32
      %dma_wait3A_108 = tpu.memref_slice %arg5[%dma_wait3A_107] : memref<1024xi32, #tpu.memory_space<vmem>> -> memref<128xi32, #tpu.memory_space<vmem>>
      %dma_wait3A_109 = arith.constant 0 : i32
      %dma_wait3A_110 = arith.constant 0 : i32
      %dma_wait3A_111 = tpu.memref_slice %arg2[%dma_wait3A_109, %dma_wait3A_110] : memref<2000x32xf32, #tpu.memory_space<hbm>> -> memref<2000x32xf32, #tpu.memory_space<hbm>>
      tpu.wait_indirect_dma semaphore(%arg7 : memref<!tpu.dma_semaphore, #tpu.memory_space<semaphore_mem>>) src(%dma_wait3A_111 : memref<2000x32xf32, #tpu.memory_space<hbm>>) dst(%dma_wait3A_106 : memref<128x32xf32, #tpu.memory_space<vmem>>)
      %dma_wait3A_112 = arith.constant 512 : i32
      %dma_wait3A_113 = arith.constant 0 : i32
      %dma_wait3A_114 = tpu.memref_slice %arg6[%dma_wait3A_112, %dma_wait3A_113] : memref<1024x32xf32, #tpu.memory_space<vmem>> -> memref<128x32xf32, #tpu.memory_space<vmem>>
      %dma_wait3A_115 = arith.constant 512 : i32
      %dma_wait3A_116 = tpu.memref_slice %arg5[%dma_wait3A_115] : memref<1024xi32, #tpu.memory_space<vmem>> -> memref<128xi32, #tpu.memory_space<vmem>>
      %dma_wait3A_117 = arith.constant 0 : i32
      %dma_wait3A_118 = arith.constant 0 : i32
      %dma_wait3A_119 = tpu.memref_slice %arg2[%dma_wait3A_117, %dma_wait3A_118] : memref<2000x32xf32, #tpu.memory_space<hbm>> -> memref<2000x32xf32, #tpu.memory_space<hbm>>
      tpu.wait_indirect_dma semaphore(%arg7 : memref<!tpu.dma_semaphore, #tpu.memory_space<semaphore_mem>>) src(%dma_wait3A_119 : memref<2000x32xf32, #tpu.memory_space<hbm>>) dst(%dma_wait3A_114 : memref<128x32xf32, #tpu.memory_space<vmem>>)
      %dma_wait3A_120 = arith.constant 640 : i32
      %dma_wait3A_121 = arith.constant 0 : i32
      %dma_wait3A_122 = tpu.memref_slice %arg6[%dma_wait3A_120, %dma_wait3A_121] : memref<1024x32xf32, #tpu.memory_space<vmem>> -> memref<128x32xf32, #tpu.memory_space<vmem>>
      %dma_wait3A_123 = arith.constant 640 : i32
      %dma_wait3A_124 = tpu.memref_slice %arg5[%dma_wait3A_123] : memref<1024xi32, #tpu.memory_space<vmem>> -> memref<128xi32, #tpu.memory_space<vmem>>
      %dma_wait3A_125 = arith.constant 0 : i32
      %dma_wait3A_126 = arith.constant 0 : i32
      %dma_wait3A_127 = tpu.memref_slice %arg2[%dma_wait3A_125, %dma_wait3A_126] : memref<2000x32xf32, #tpu.memory_space<hbm>> -> memref<2000x32xf32, #tpu.memory_space<hbm>>
      tpu.wait_indirect_dma semaphore(%arg7 : memref<!tpu.dma_semaphore, #tpu.memory_space<semaphore_mem>>) src(%dma_wait3A_127 : memref<2000x32xf32, #tpu.memory_space<hbm>>) dst(%dma_wait3A_122 : memref<128x32xf32, #tpu.memory_space<vmem>>)
      %dma_wait3A_128 = arith.constant 768 : i32
      %dma_wait3A_129 = arith.constant 0 : i32
      %dma_wait3A_130 = tpu.memref_slice %arg6[%dma_wait3A_128, %dma_wait3A_129] : memref<1024x32xf32, #tpu.memory_space<vmem>> -> memref<128x32xf32, #tpu.memory_space<vmem>>
      %dma_wait3A_131 = arith.constant 768 : i32
      %dma_wait3A_132 = tpu.memref_slice %arg5[%dma_wait3A_131] : memref<1024xi32, #tpu.memory_space<vmem>> -> memref<128xi32, #tpu.memory_space<vmem>>
      %dma_wait3A_133 = arith.constant 0 : i32
      %dma_wait3A_134 = arith.constant 0 : i32
      %dma_wait3A_135 = tpu.memref_slice %arg2[%dma_wait3A_133, %dma_wait3A_134] : memref<2000x32xf32, #tpu.memory_space<hbm>> -> memref<2000x32xf32, #tpu.memory_space<hbm>>
      tpu.wait_indirect_dma semaphore(%arg7 : memref<!tpu.dma_semaphore, #tpu.memory_space<semaphore_mem>>) src(%dma_wait3A_135 : memref<2000x32xf32, #tpu.memory_space<hbm>>) dst(%dma_wait3A_130 : memref<128x32xf32, #tpu.memory_space<vmem>>)
      %dma_wait3A_136 = arith.constant 896 : i32
      %dma_wait3A_137 = arith.constant 0 : i32
      %dma_wait3A_138 = tpu.memref_slice %arg6[%dma_wait3A_136, %dma_wait3A_137] : memref<1024x32xf32, #tpu.memory_space<vmem>> -> memref<128x32xf32, #tpu.memory_space<vmem>>
      %dma_wait3A_139 = arith.constant 896 : i32
      %dma_wait3A_140 = tpu.memref_slice %arg5[%dma_wait3A_139] : memref<1024xi32, #tpu.memory_space<vmem>> -> memref<128xi32, #tpu.memory_space<vmem>>
      %dma_wait3A_141 = arith.constant 0 : i32
      %dma_wait3A_142 = arith.constant 0 : i32
      %dma_wait3A_143 = tpu.memref_slice %arg2[%dma_wait3A_141, %dma_wait3A_142] : memref<2000x32xf32, #tpu.memory_space<hbm>> -> memref<2000x32xf32, #tpu.memory_space<hbm>>
      tpu.wait_indirect_dma semaphore(%arg7 : memref<!tpu.dma_semaphore, #tpu.memory_space<semaphore_mem>>) src(%dma_wait3A_143 : memref<2000x32xf32, #tpu.memory_space<hbm>>) dst(%dma_wait3A_138 : memref<128x32xf32, #tpu.memory_space<vmem>>)
      %run_scoped3A = arith.constant 0 : i32
      "tpu.region"() ({
        %run_scoped3A_144 = tpu.sem_alloc : memref<!tpu.dma_semaphore, #tpu.memory_space<semaphore_mem>>
        %dma_start3A_145 = arith.constant 0 : i32
        %dma_start3A_146 = arith.constant 0 : i32
        %dma_start3A_147 = tpu.memref_slice %arg4[%add3A, %run_scoped3A, %dma_start3A_145, %dma_start3A_146] : memref<25x4x1024x32xf32, #tpu.memory_space<hbm>> -> memref<1x1x1024x32xf32, #tpu.memory_space<hbm>>
        %dma_start3A_148 = tpu.memref_squeeze %dma_start3A_147 : memref<1x1x1024x32xf32, #tpu.memory_space<hbm>> -> memref<1024x32xf32, #tpu.memory_space<hbm>>
        %dma_start3A_149 = arith.constant 0 : i32
        %dma_start3A_150 = arith.constant 0 : i32
        %dma_start3A_151 = tpu.memref_slice %arg4[%add3A, %run_scoped3A, %dma_start3A_149, %dma_start3A_150] : memref<25x4x1024x32xf32, #tpu.memory_space<hbm>> -> memref<1x1x1024x32xf32, #tpu.memory_space<hbm>>
        %dma_start3A_152 = tpu.memref_squeeze %dma_start3A_151 : memref<1x1x1024x32xf32, #tpu.memory_space<hbm>> -> memref<1024x32xf32, #tpu.memory_space<hbm>>
        tpu.enqueue_dma source(%arg6 : memref<1024x32xf32, #tpu.memory_space<vmem>>) target(%dma_start3A_152 : memref<1024x32xf32, #tpu.memory_space<hbm>>) target_semaphore(%run_scoped3A_144 : memref<!tpu.dma_semaphore, #tpu.memory_space<semaphore_mem>>)
        %dma_wait3A_153 = arith.constant 0 : i32
        %dma_wait3A_154 = arith.constant 0 : i32
        %dma_wait3A_155 = tpu.memref_slice %arg4[%add3A, %run_scoped3A, %dma_wait3A_153, %dma_wait3A_154] : memref<25x4x1024x32xf32, #tpu.memory_space<hbm>> -> memref<1x1x1024x32xf32, #tpu.memory_space<hbm>>
        %dma_wait3A_156 = tpu.memref_squeeze %dma_wait3A_155 : memref<1x1x1024x32xf32, #tpu.memory_space<hbm>> -> memref<1024x32xf32, #tpu.memory_space<hbm>>
        %dma_wait3A_157 = arith.constant 0 : i32
        %dma_wait3A_158 = arith.constant 0 : i32
        %dma_wait3A_159 = tpu.memref_slice %arg4[%add3A, %run_scoped3A, %dma_wait3A_157, %dma_wait3A_158] : memref<25x4x1024x32xf32, #tpu.memory_space<hbm>> -> memref<1x1x1024x32xf32, #tpu.memory_space<hbm>>
        %dma_wait3A_160 = tpu.memref_squeeze %dma_wait3A_159 : memref<1x1x1024x32xf32, #tpu.memory_space<hbm>> -> memref<1024x32xf32, #tpu.memory_space<hbm>>
        tpu.wait_dma2 semaphore(%run_scoped3A_144 : memref<!tpu.dma_semaphore, #tpu.memory_space<semaphore_mem>>) src(%arg6 : memref<1024x32xf32, #tpu.memory_space<vmem>>) dst(%dma_wait3A_160 : memref<1024x32xf32, #tpu.memory_space<hbm>>)
        tpu.yield
      }) : () -> ()
    } else {
    }
    %lt3A_3 = arith.constant 25 : i32
    %lt3A_4 = arith.cmpi slt, %add3A, %lt3A_3 : i32
    %convert_element_type3A_5 = arith.extui %lt3A_4 : i1 to i32
    %cond3A_6 = arith.constant 0 : i32
    %cond3A_7 = arith.cmpi ne, %convert_element_type3A_5, %cond3A_6 : i32
    scf.if %cond3A_7 {
      "tpu.region"() ({
        %run_scoped3A_144 = tpu.sem_alloc : memref<!tpu.dma_semaphore, #tpu.memory_space<semaphore_mem>>
        %dma_start3A_145 = arith.constant 1024 : i32
        %dma_start3A_146 = tpu.memref_slice %arg3[%add3A, %dma_start3A_145] : memref<25x4096xi32, #tpu.memory_space<hbm>> -> memref<1x1024xi32, #tpu.memory_space<hbm>>
        %dma_start3A_147 = tpu.memref_squeeze %dma_start3A_146 : memref<1x1024xi32, #tpu.memory_space<hbm>> -> memref<1024xi32, #tpu.memory_space<hbm>>
        %dma_start3A_148 = arith.constant 1024 : i32
        %dma_start3A_149 = tpu.memref_slice %arg3[%add3A, %dma_start3A_148] : memref<25x4096xi32, #tpu.memory_space<hbm>> -> memref<1x1024xi32, #tpu.memory_space<hbm>>
        %dma_start3A_150 = tpu.memref_squeeze %dma_start3A_149 : memref<1x1024xi32, #tpu.memory_space<hbm>> -> memref<1024xi32, #tpu.memory_space<hbm>>
        tpu.enqueue_dma source(%dma_start3A_150 : memref<1024xi32, #tpu.memory_space<hbm>>) target(%arg5 : memref<1024xi32, #tpu.memory_space<vmem>>) target_semaphore(%run_scoped3A_144 : memref<!tpu.dma_semaphore, #tpu.memory_space<semaphore_mem>>)
        %dma_wait3A_151 = arith.constant 1024 : i32
        %dma_wait3A_152 = tpu.memref_slice %arg3[%add3A, %dma_wait3A_151] : memref<25x4096xi32, #tpu.memory_space<hbm>> -> memref<1x1024xi32, #tpu.memory_space<hbm>>
        %dma_wait3A_153 = tpu.memref_squeeze %dma_wait3A_152 : memref<1x1024xi32, #tpu.memory_space<hbm>> -> memref<1024xi32, #tpu.memory_space<hbm>>
        %dma_wait3A_154 = arith.constant 1024 : i32
        %dma_wait3A_155 = tpu.memref_slice %arg3[%add3A, %dma_wait3A_154] : memref<25x4096xi32, #tpu.memory_space<hbm>> -> memref<1x1024xi32, #tpu.memory_space<hbm>>
        %dma_wait3A_156 = tpu.memref_squeeze %dma_wait3A_155 : memref<1x1024xi32, #tpu.memory_space<hbm>> -> memref<1024xi32, #tpu.memory_space<hbm>>
        tpu.wait_dma2 semaphore(%run_scoped3A_144 : memref<!tpu.dma_semaphore, #tpu.memory_space<semaphore_mem>>) src(%dma_wait3A_156 : memref<1024xi32, #tpu.memory_space<hbm>>) dst(%arg5 : memref<1024xi32, #tpu.memory_space<vmem>>)
        tpu.yield
      }) : () -> ()
      %dma_start3A = arith.constant 0 : i32
      %dma_start3A_18 = arith.constant 0 : i32
      %dma_start3A_19 = tpu.memref_slice %arg6[%dma_start3A, %dma_start3A_18] : memref<1024x32xf32, #tpu.memory_space<vmem>> -> memref<128x32xf32, #tpu.memory_space<vmem>>
      %dma_start3A_20 = arith.constant 0 : i32
      %dma_start3A_21 = tpu.memref_slice %arg5[%dma_start3A_20] : memref<1024xi32, #tpu.memory_space<vmem>> -> memref<128xi32, #tpu.memory_space<vmem>>
      %dma_start3A_22 = arith.constant 0 : i32
      %dma_start3A_23 = arith.constant 0 : i32
      %dma_start3A_24 = tpu.memref_slice %arg2[%dma_start3A_22, %dma_start3A_23] : memref<2000x32xf32, #tpu.memory_space<hbm>> -> memref<2000x32xf32, #tpu.memory_space<hbm>>
      tpu.enqueue_indirect_dma source(%dma_start3A_24 : memref<2000x32xf32, #tpu.memory_space<hbm>>) target(%dma_start3A_19 : memref<128x32xf32, #tpu.memory_space<vmem>>) offsets(%dma_start3A_21 : memref<128xi32, #tpu.memory_space<vmem>>) semaphore(%arg7 : memref<!tpu.dma_semaphore, #tpu.memory_space<semaphore_mem>>)
      %dma_start3A_25 = arith.constant 128 : i32
      %dma_start3A_26 = arith.constant 0 : i32
      %dma_start3A_27 = tpu.memref_slice %arg6[%dma_start3A_25, %dma_start3A_26] : memref<1024x32xf32, #tpu.memory_space<vmem>> -> memref<128x32xf32, #tpu.memory_space<vmem>>
      %dma_start3A_28 = arith.constant 128 : i32
      %dma_start3A_29 = tpu.memref_slice %arg5[%dma_start3A_28] : memref<1024xi32, #tpu.memory_space<vmem>> -> memref<128xi32, #tpu.memory_space<vmem>>
      %dma_start3A_30 = arith.constant 0 : i32
      %dma_start3A_31 = arith.constant 0 : i32
      %dma_start3A_32 = tpu.memref_slice %arg2[%dma_start3A_30, %dma_start3A_31] : memref<2000x32xf32, #tpu.memory_space<hbm>> -> memref<2000x32xf32, #tpu.memory_space<hbm>>
      tpu.enqueue_indirect_dma source(%dma_start3A_32 : memref<2000x32xf32, #tpu.memory_space<hbm>>) target(%dma_start3A_27 : memref<128x32xf32, #tpu.memory_space<vmem>>) offsets(%dma_start3A_29 : memref<128xi32, #tpu.memory_space<vmem>>) semaphore(%arg7 : memref<!tpu.dma_semaphore, #tpu.memory_space<semaphore_mem>>)
      %dma_start3A_33 = arith.constant 256 : i32
      %dma_start3A_34 = arith.constant 0 : i32
      %dma_start3A_35 = tpu.memref_slice %arg6[%dma_start3A_33, %dma_start3A_34] : memref<1024x32xf32, #tpu.memory_space<vmem>> -> memref<128x32xf32, #tpu.memory_space<vmem>>
      %dma_start3A_36 = arith.constant 256 : i32
      %dma_start3A_37 = tpu.memref_slice %arg5[%dma_start3A_36] : memref<1024xi32, #tpu.memory_space<vmem>> -> memref<128xi32, #tpu.memory_space<vmem>>
      %dma_start3A_38 = arith.constant 0 : i32
      %dma_start3A_39 = arith.constant 0 : i32
      %dma_start3A_40 = tpu.memref_slice %arg2[%dma_start3A_38, %dma_start3A_39] : memref<2000x32xf32, #tpu.memory_space<hbm>> -> memref<2000x32xf32, #tpu.memory_space<hbm>>
      tpu.enqueue_indirect_dma source(%dma_start3A_40 : memref<2000x32xf32, #tpu.memory_space<hbm>>) target(%dma_start3A_35 : memref<128x32xf32, #tpu.memory_space<vmem>>) offsets(%dma_start3A_37 : memref<128xi32, #tpu.memory_space<vmem>>) semaphore(%arg7 : memref<!tpu.dma_semaphore, #tpu.memory_space<semaphore_mem>>)
      %dma_start3A_41 = arith.constant 384 : i32
      %dma_start3A_42 = arith.constant 0 : i32
      %dma_start3A_43 = tpu.memref_slice %arg6[%dma_start3A_41, %dma_start3A_42] : memref<1024x32xf32, #tpu.memory_space<vmem>> -> memref<128x32xf32, #tpu.memory_space<vmem>>
      %dma_start3A_44 = arith.constant 384 : i32
      %dma_start3A_45 = tpu.memref_slice %arg5[%dma_start3A_44] : memref<1024xi32, #tpu.memory_space<vmem>> -> memref<128xi32, #tpu.memory_space<vmem>>
      %dma_start3A_46 = arith.constant 0 : i32
      %dma_start3A_47 = arith.constant 0 : i32
      %dma_start3A_48 = tpu.memref_slice %arg2[%dma_start3A_46, %dma_start3A_47] : memref<2000x32xf32, #tpu.memory_space<hbm>> -> memref<2000x32xf32, #tpu.memory_space<hbm>>
      tpu.enqueue_indirect_dma source(%dma_start3A_48 : memref<2000x32xf32, #tpu.memory_space<hbm>>) target(%dma_start3A_43 : memref<128x32xf32, #tpu.memory_space<vmem>>) offsets(%dma_start3A_45 : memref<128xi32, #tpu.memory_space<vmem>>) semaphore(%arg7 : memref<!tpu.dma_semaphore, #tpu.memory_space<semaphore_mem>>)
      %dma_start3A_49 = arith.constant 512 : i32
      %dma_start3A_50 = arith.constant 0 : i32
      %dma_start3A_51 = tpu.memref_slice %arg6[%dma_start3A_49, %dma_start3A_50] : memref<1024x32xf32, #tpu.memory_space<vmem>> -> memref<128x32xf32, #tpu.memory_space<vmem>>
      %dma_start3A_52 = arith.constant 512 : i32
      %dma_start3A_53 = tpu.memref_slice %arg5[%dma_start3A_52] : memref<1024xi32, #tpu.memory_space<vmem>> -> memref<128xi32, #tpu.memory_space<vmem>>
      %dma_start3A_54 = arith.constant 0 : i32
      %dma_start3A_55 = arith.constant 0 : i32
      %dma_start3A_56 = tpu.memref_slice %arg2[%dma_start3A_54, %dma_start3A_55] : memref<2000x32xf32, #tpu.memory_space<hbm>> -> memref<2000x32xf32, #tpu.memory_space<hbm>>
      tpu.enqueue_indirect_dma source(%dma_start3A_56 : memref<2000x32xf32, #tpu.memory_space<hbm>>) target(%dma_start3A_51 : memref<128x32xf32, #tpu.memory_space<vmem>>) offsets(%dma_start3A_53 : memref<128xi32, #tpu.memory_space<vmem>>) semaphore(%arg7 : memref<!tpu.dma_semaphore, #tpu.memory_space<semaphore_mem>>)
      %dma_start3A_57 = arith.constant 640 : i32
      %dma_start3A_58 = arith.constant 0 : i32
      %dma_start3A_59 = tpu.memref_slice %arg6[%dma_start3A_57, %dma_start3A_58] : memref<1024x32xf32, #tpu.memory_space<vmem>> -> memref<128x32xf32, #tpu.memory_space<vmem>>
      %dma_start3A_60 = arith.constant 640 : i32
      %dma_start3A_61 = tpu.memref_slice %arg5[%dma_start3A_60] : memref<1024xi32, #tpu.memory_space<vmem>> -> memref<128xi32, #tpu.memory_space<vmem>>
      %dma_start3A_62 = arith.constant 0 : i32
      %dma_start3A_63 = arith.constant 0 : i32
      %dma_start3A_64 = tpu.memref_slice %arg2[%dma_start3A_62, %dma_start3A_63] : memref<2000x32xf32, #tpu.memory_space<hbm>> -> memref<2000x32xf32, #tpu.memory_space<hbm>>
      tpu.enqueue_indirect_dma source(%dma_start3A_64 : memref<2000x32xf32, #tpu.memory_space<hbm>>) target(%dma_start3A_59 : memref<128x32xf32, #tpu.memory_space<vmem>>) offsets(%dma_start3A_61 : memref<128xi32, #tpu.memory_space<vmem>>) semaphore(%arg7 : memref<!tpu.dma_semaphore, #tpu.memory_space<semaphore_mem>>)
      %dma_start3A_65 = arith.constant 768 : i32
      %dma_start3A_66 = arith.constant 0 : i32
      %dma_start3A_67 = tpu.memref_slice %arg6[%dma_start3A_65, %dma_start3A_66] : memref<1024x32xf32, #tpu.memory_space<vmem>> -> memref<128x32xf32, #tpu.memory_space<vmem>>
      %dma_start3A_68 = arith.constant 768 : i32
      %dma_start3A_69 = tpu.memref_slice %arg5[%dma_start3A_68] : memref<1024xi32, #tpu.memory_space<vmem>> -> memref<128xi32, #tpu.memory_space<vmem>>
      %dma_start3A_70 = arith.constant 0 : i32
      %dma_start3A_71 = arith.constant 0 : i32
      %dma_start3A_72 = tpu.memref_slice %arg2[%dma_start3A_70, %dma_start3A_71] : memref<2000x32xf32, #tpu.memory_space<hbm>> -> memref<2000x32xf32, #tpu.memory_space<hbm>>
      tpu.enqueue_indirect_dma source(%dma_start3A_72 : memref<2000x32xf32, #tpu.memory_space<hbm>>) target(%dma_start3A_67 : memref<128x32xf32, #tpu.memory_space<vmem>>) offsets(%dma_start3A_69 : memref<128xi32, #tpu.memory_space<vmem>>) semaphore(%arg7 : memref<!tpu.dma_semaphore, #tpu.memory_space<semaphore_mem>>)
      %dma_start3A_73 = arith.constant 896 : i32
      %dma_start3A_74 = arith.constant 0 : i32
      %dma_start3A_75 = tpu.memref_slice %arg6[%dma_start3A_73, %dma_start3A_74] : memref<1024x32xf32, #tpu.memory_space<vmem>> -> memref<128x32xf32, #tpu.memory_space<vmem>>
      %dma_start3A_76 = arith.constant 896 : i32
      %dma_start3A_77 = tpu.memref_slice %arg5[%dma_start3A_76] : memref<1024xi32, #tpu.memory_space<vmem>> -> memref<128xi32, #tpu.memory_space<vmem>>
      %dma_start3A_78 = arith.constant 0 : i32
      %dma_start3A_79 = arith.constant 0 : i32
      %dma_start3A_80 = tpu.memref_slice %arg2[%dma_start3A_78, %dma_start3A_79] : memref<2000x32xf32, #tpu.memory_space<hbm>> -> memref<2000x32xf32, #tpu.memory_space<hbm>>
      tpu.enqueue_indirect_dma source(%dma_start3A_80 : memref<2000x32xf32, #tpu.memory_space<hbm>>) target(%dma_start3A_75 : memref<128x32xf32, #tpu.memory_space<vmem>>) offsets(%dma_start3A_77 : memref<128xi32, #tpu.memory_space<vmem>>) semaphore(%arg7 : memref<!tpu.dma_semaphore, #tpu.memory_space<semaphore_mem>>)
      %dma_wait3A = arith.constant 0 : i32
      %dma_wait3A_81 = arith.constant 0 : i32
      %dma_wait3A_82 = tpu.memref_slice %arg6[%dma_wait3A, %dma_wait3A_81] : memref<1024x32xf32, #tpu.memory_space<vmem>> -> memref<128x32xf32, #tpu.memory_space<vmem>>
      %dma_wait3A_83 = arith.constant 0 : i32
      %dma_wait3A_84 = tpu.memref_slice %arg5[%dma_wait3A_83] : memref<1024xi32, #tpu.memory_space<vmem>> -> memref<128xi32, #tpu.memory_space<vmem>>
      %dma_wait3A_85 = arith.constant 0 : i32
      %dma_wait3A_86 = arith.constant 0 : i32
      %dma_wait3A_87 = tpu.memref_slice %arg2[%dma_wait3A_85, %dma_wait3A_86] : memref<2000x32xf32, #tpu.memory_space<hbm>> -> memref<2000x32xf32, #tpu.memory_space<hbm>>
      tpu.wait_indirect_dma semaphore(%arg7 : memref<!tpu.dma_semaphore, #tpu.memory_space<semaphore_mem>>) src(%dma_wait3A_87 : memref<2000x32xf32, #tpu.memory_space<hbm>>) dst(%dma_wait3A_82 : memref<128x32xf32, #tpu.memory_space<vmem>>)
      %dma_wait3A_88 = arith.constant 128 : i32
      %dma_wait3A_89 = arith.constant 0 : i32
      %dma_wait3A_90 = tpu.memref_slice %arg6[%dma_wait3A_88, %dma_wait3A_89] : memref<1024x32xf32, #tpu.memory_space<vmem>> -> memref<128x32xf32, #tpu.memory_space<vmem>>
      %dma_wait3A_91 = arith.constant 128 : i32
      %dma_wait3A_92 = tpu.memref_slice %arg5[%dma_wait3A_91] : memref<1024xi32, #tpu.memory_space<vmem>> -> memref<128xi32, #tpu.memory_space<vmem>>
      %dma_wait3A_93 = arith.constant 0 : i32
      %dma_wait3A_94 = arith.constant 0 : i32
      %dma_wait3A_95 = tpu.memref_slice %arg2[%dma_wait3A_93, %dma_wait3A_94] : memref<2000x32xf32, #tpu.memory_space<hbm>> -> memref<2000x32xf32, #tpu.memory_space<hbm>>
      tpu.wait_indirect_dma semaphore(%arg7 : memref<!tpu.dma_semaphore, #tpu.memory_space<semaphore_mem>>) src(%dma_wait3A_95 : memref<2000x32xf32, #tpu.memory_space<hbm>>) dst(%dma_wait3A_90 : memref<128x32xf32, #tpu.memory_space<vmem>>)
      %dma_wait3A_96 = arith.constant 256 : i32
      %dma_wait3A_97 = arith.constant 0 : i32
      %dma_wait3A_98 = tpu.memref_slice %arg6[%dma_wait3A_96, %dma_wait3A_97] : memref<1024x32xf32, #tpu.memory_space<vmem>> -> memref<128x32xf32, #tpu.memory_space<vmem>>
      %dma_wait3A_99 = arith.constant 256 : i32
      %dma_wait3A_100 = tpu.memref_slice %arg5[%dma_wait3A_99] : memref<1024xi32, #tpu.memory_space<vmem>> -> memref<128xi32, #tpu.memory_space<vmem>>
      %dma_wait3A_101 = arith.constant 0 : i32
      %dma_wait3A_102 = arith.constant 0 : i32
      %dma_wait3A_103 = tpu.memref_slice %arg2[%dma_wait3A_101, %dma_wait3A_102] : memref<2000x32xf32, #tpu.memory_space<hbm>> -> memref<2000x32xf32, #tpu.memory_space<hbm>>
      tpu.wait_indirect_dma semaphore(%arg7 : memref<!tpu.dma_semaphore, #tpu.memory_space<semaphore_mem>>) src(%dma_wait3A_103 : memref<2000x32xf32, #tpu.memory_space<hbm>>) dst(%dma_wait3A_98 : memref<128x32xf32, #tpu.memory_space<vmem>>)
      %dma_wait3A_104 = arith.constant 384 : i32
      %dma_wait3A_105 = arith.constant 0 : i32
      %dma_wait3A_106 = tpu.memref_slice %arg6[%dma_wait3A_104, %dma_wait3A_105] : memref<1024x32xf32, #tpu.memory_space<vmem>> -> memref<128x32xf32, #tpu.memory_space<vmem>>
      %dma_wait3A_107 = arith.constant 384 : i32
      %dma_wait3A_108 = tpu.memref_slice %arg5[%dma_wait3A_107] : memref<1024xi32, #tpu.memory_space<vmem>> -> memref<128xi32, #tpu.memory_space<vmem>>
      %dma_wait3A_109 = arith.constant 0 : i32
      %dma_wait3A_110 = arith.constant 0 : i32
      %dma_wait3A_111 = tpu.memref_slice %arg2[%dma_wait3A_109, %dma_wait3A_110] : memref<2000x32xf32, #tpu.memory_space<hbm>> -> memref<2000x32xf32, #tpu.memory_space<hbm>>
      tpu.wait_indirect_dma semaphore(%arg7 : memref<!tpu.dma_semaphore, #tpu.memory_space<semaphore_mem>>) src(%dma_wait3A_111 : memref<2000x32xf32, #tpu.memory_space<hbm>>) dst(%dma_wait3A_106 : memref<128x32xf32, #tpu.memory_space<vmem>>)
      %dma_wait3A_112 = arith.constant 512 : i32
      %dma_wait3A_113 = arith.constant 0 : i32
      %dma_wait3A_114 = tpu.memref_slice %arg6[%dma_wait3A_112, %dma_wait3A_113] : memref<1024x32xf32, #tpu.memory_space<vmem>> -> memref<128x32xf32, #tpu.memory_space<vmem>>
      %dma_wait3A_115 = arith.constant 512 : i32
      %dma_wait3A_116 = tpu.memref_slice %arg5[%dma_wait3A_115] : memref<1024xi32, #tpu.memory_space<vmem>> -> memref<128xi32, #tpu.memory_space<vmem>>
      %dma_wait3A_117 = arith.constant 0 : i32
      %dma_wait3A_118 = arith.constant 0 : i32
      %dma_wait3A_119 = tpu.memref_slice %arg2[%dma_wait3A_117, %dma_wait3A_118] : memref<2000x32xf32, #tpu.memory_space<hbm>> -> memref<2000x32xf32, #tpu.memory_space<hbm>>
      tpu.wait_indirect_dma semaphore(%arg7 : memref<!tpu.dma_semaphore, #tpu.memory_space<semaphore_mem>>) src(%dma_wait3A_119 : memref<2000x32xf32, #tpu.memory_space<hbm>>) dst(%dma_wait3A_114 : memref<128x32xf32, #tpu.memory_space<vmem>>)
      %dma_wait3A_120 = arith.constant 640 : i32
      %dma_wait3A_121 = arith.constant 0 : i32
      %dma_wait3A_122 = tpu.memref_slice %arg6[%dma_wait3A_120, %dma_wait3A_121] : memref<1024x32xf32, #tpu.memory_space<vmem>> -> memref<128x32xf32, #tpu.memory_space<vmem>>
      %dma_wait3A_123 = arith.constant 640 : i32
      %dma_wait3A_124 = tpu.memref_slice %arg5[%dma_wait3A_123] : memref<1024xi32, #tpu.memory_space<vmem>> -> memref<128xi32, #tpu.memory_space<vmem>>
      %dma_wait3A_125 = arith.constant 0 : i32
      %dma_wait3A_126 = arith.constant 0 : i32
      %dma_wait3A_127 = tpu.memref_slice %arg2[%dma_wait3A_125, %dma_wait3A_126] : memref<2000x32xf32, #tpu.memory_space<hbm>> -> memref<2000x32xf32, #tpu.memory_space<hbm>>
      tpu.wait_indirect_dma semaphore(%arg7 : memref<!tpu.dma_semaphore, #tpu.memory_space<semaphore_mem>>) src(%dma_wait3A_127 : memref<2000x32xf32, #tpu.memory_space<hbm>>) dst(%dma_wait3A_122 : memref<128x32xf32, #tpu.memory_space<vmem>>)
      %dma_wait3A_128 = arith.constant 768 : i32
      %dma_wait3A_129 = arith.constant 0 : i32
      %dma_wait3A_130 = tpu.memref_slice %arg6[%dma_wait3A_128, %dma_wait3A_129] : memref<1024x32xf32, #tpu.memory_space<vmem>> -> memref<128x32xf32, #tpu.memory_space<vmem>>
      %dma_wait3A_131 = arith.constant 768 : i32
      %dma_wait3A_132 = tpu.memref_slice %arg5[%dma_wait3A_131] : memref<1024xi32, #tpu.memory_space<vmem>> -> memref<128xi32, #tpu.memory_space<vmem>>
      %dma_wait3A_133 = arith.constant 0 : i32
      %dma_wait3A_134 = arith.constant 0 : i32
      %dma_wait3A_135 = tpu.memref_slice %arg2[%dma_wait3A_133, %dma_wait3A_134] : memref<2000x32xf32, #tpu.memory_space<hbm>> -> memref<2000x32xf32, #tpu.memory_space<hbm>>
      tpu.wait_indirect_dma semaphore(%arg7 : memref<!tpu.dma_semaphore, #tpu.memory_space<semaphore_mem>>) src(%dma_wait3A_135 : memref<2000x32xf32, #tpu.memory_space<hbm>>) dst(%dma_wait3A_130 : memref<128x32xf32, #tpu.memory_space<vmem>>)
      %dma_wait3A_136 = arith.constant 896 : i32
      %dma_wait3A_137 = arith.constant 0 : i32
      %dma_wait3A_138 = tpu.memref_slice %arg6[%dma_wait3A_136, %dma_wait3A_137] : memref<1024x32xf32, #tpu.memory_space<vmem>> -> memref<128x32xf32, #tpu.memory_space<vmem>>
      %dma_wait3A_139 = arith.constant 896 : i32
      %dma_wait3A_140 = tpu.memref_slice %arg5[%dma_wait3A_139] : memref<1024xi32, #tpu.memory_space<vmem>> -> memref<128xi32, #tpu.memory_space<vmem>>
      %dma_wait3A_141 = arith.constant 0 : i32
      %dma_wait3A_142 = arith.constant 0 : i32
      %dma_wait3A_143 = tpu.memref_slice %arg2[%dma_wait3A_141, %dma_wait3A_142] : memref<2000x32xf32, #tpu.memory_space<hbm>> -> memref<2000x32xf32, #tpu.memory_space<hbm>>
      tpu.wait_indirect_dma semaphore(%arg7 : memref<!tpu.dma_semaphore, #tpu.memory_space<semaphore_mem>>) src(%dma_wait3A_143 : memref<2000x32xf32, #tpu.memory_space<hbm>>) dst(%dma_wait3A_138 : memref<128x32xf32, #tpu.memory_space<vmem>>)
      %run_scoped3A = arith.constant 1 : i32
      "tpu.region"() ({
        %run_scoped3A_144 = tpu.sem_alloc : memref<!tpu.dma_semaphore, #tpu.memory_space<semaphore_mem>>
        %dma_start3A_145 = arith.constant 0 : i32
        %dma_start3A_146 = arith.constant 0 : i32
        %dma_start3A_147 = tpu.memref_slice %arg4[%add3A, %run_scoped3A, %dma_start3A_145, %dma_start3A_146] : memref<25x4x1024x32xf32, #tpu.memory_space<hbm>> -> memref<1x1x1024x32xf32, #tpu.memory_space<hbm>>
        %dma_start3A_148 = tpu.memref_squeeze %dma_start3A_147 : memref<1x1x1024x32xf32, #tpu.memory_space<hbm>> -> memref<1024x32xf32, #tpu.memory_space<hbm>>
        %dma_start3A_149 = arith.constant 0 : i32
        %dma_start3A_150 = arith.constant 0 : i32
        %dma_start3A_151 = tpu.memref_slice %arg4[%add3A, %run_scoped3A, %dma_start3A_149, %dma_start3A_150] : memref<25x4x1024x32xf32, #tpu.memory_space<hbm>> -> memref<1x1x1024x32xf32, #tpu.memory_space<hbm>>
        %dma_start3A_152 = tpu.memref_squeeze %dma_start3A_151 : memref<1x1x1024x32xf32, #tpu.memory_space<hbm>> -> memref<1024x32xf32, #tpu.memory_space<hbm>>
        tpu.enqueue_dma source(%arg6 : memref<1024x32xf32, #tpu.memory_space<vmem>>) target(%dma_start3A_152 : memref<1024x32xf32, #tpu.memory_space<hbm>>) target_semaphore(%run_scoped3A_144 : memref<!tpu.dma_semaphore, #tpu.memory_space<semaphore_mem>>)
        %dma_wait3A_153 = arith.constant 0 : i32
        %dma_wait3A_154 = arith.constant 0 : i32
        %dma_wait3A_155 = tpu.memref_slice %arg4[%add3A, %run_scoped3A, %dma_wait3A_153, %dma_wait3A_154] : memref<25x4x1024x32xf32, #tpu.memory_space<hbm>> -> memref<1x1x1024x32xf32, #tpu.memory_space<hbm>>
        %dma_wait3A_156 = tpu.memref_squeeze %dma_wait3A_155 : memref<1x1x1024x32xf32, #tpu.memory_space<hbm>> -> memref<1024x32xf32, #tpu.memory_space<hbm>>
        %dma_wait3A_157 = arith.constant 0 : i32
        %dma_wait3A_158 = arith.constant 0 : i32
        %dma_wait3A_159 = tpu.memref_slice %arg4[%add3A, %run_scoped3A, %dma_wait3A_157, %dma_wait3A_158] : memref<25x4x1024x32xf32, #tpu.memory_space<hbm>> -> memref<1x1x1024x32xf32, #tpu.memory_space<hbm>>
        %dma_wait3A_160 = tpu.memref_squeeze %dma_wait3A_159 : memref<1x1x1024x32xf32, #tpu.memory_space<hbm>> -> memref<1024x32xf32, #tpu.memory_space<hbm>>
        tpu.wait_dma2 semaphore(%run_scoped3A_144 : memref<!tpu.dma_semaphore, #tpu.memory_space<semaphore_mem>>) src(%arg6 : memref<1024x32xf32, #tpu.memory_space<vmem>>) dst(%dma_wait3A_160 : memref<1024x32xf32, #tpu.memory_space<hbm>>)
        tpu.yield
      }) : () -> ()
    } else {
    }
    %lt3A_8 = arith.constant 25 : i32
    %lt3A_9 = arith.cmpi slt, %add3A, %lt3A_8 : i32
    %convert_element_type3A_10 = arith.extui %lt3A_9 : i1 to i32
    %cond3A_11 = arith.constant 0 : i32
    %cond3A_12 = arith.cmpi ne, %convert_element_type3A_10, %cond3A_11 : i32
    scf.if %cond3A_12 {
      "tpu.region"() ({
        %run_scoped3A_144 = tpu.sem_alloc : memref<!tpu.dma_semaphore, #tpu.memory_space<semaphore_mem>>
        %dma_start3A_145 = arith.constant 2048 : i32
        %dma_start3A_146 = tpu.memref_slice %arg3[%add3A, %dma_start3A_145] : memref<25x4096xi32, #tpu.memory_space<hbm>> -> memref<1x1024xi32, #tpu.memory_space<hbm>>
        %dma_start3A_147 = tpu.memref_squeeze %dma_start3A_146 : memref<1x1024xi32, #tpu.memory_space<hbm>> -> memref<1024xi32, #tpu.memory_space<hbm>>
        %dma_start3A_148 = arith.constant 2048 : i32
        %dma_start3A_149 = tpu.memref_slice %arg3[%add3A, %dma_start3A_148] : memref<25x4096xi32, #tpu.memory_space<hbm>> -> memref<1x1024xi32, #tpu.memory_space<hbm>>
        %dma_start3A_150 = tpu.memref_squeeze %dma_start3A_149 : memref<1x1024xi32, #tpu.memory_space<hbm>> -> memref<1024xi32, #tpu.memory_space<hbm>>
        tpu.enqueue_dma source(%dma_start3A_150 : memref<1024xi32, #tpu.memory_space<hbm>>) target(%arg5 : memref<1024xi32, #tpu.memory_space<vmem>>) target_semaphore(%run_scoped3A_144 : memref<!tpu.dma_semaphore, #tpu.memory_space<semaphore_mem>>)
        %dma_wait3A_151 = arith.constant 2048 : i32
        %dma_wait3A_152 = tpu.memref_slice %arg3[%add3A, %dma_wait3A_151] : memref<25x4096xi32, #tpu.memory_space<hbm>> -> memref<1x1024xi32, #tpu.memory_space<hbm>>
        %dma_wait3A_153 = tpu.memref_squeeze %dma_wait3A_152 : memref<1x1024xi32, #tpu.memory_space<hbm>> -> memref<1024xi32, #tpu.memory_space<hbm>>
        %dma_wait3A_154 = arith.constant 2048 : i32
        %dma_wait3A_155 = tpu.memref_slice %arg3[%add3A, %dma_wait3A_154] : memref<25x4096xi32, #tpu.memory_space<hbm>> -> memref<1x1024xi32, #tpu.memory_space<hbm>>
        %dma_wait3A_156 = tpu.memref_squeeze %dma_wait3A_155 : memref<1x1024xi32, #tpu.memory_space<hbm>> -> memref<1024xi32, #tpu.memory_space<hbm>>
        tpu.wait_dma2 semaphore(%run_scoped3A_144 : memref<!tpu.dma_semaphore, #tpu.memory_space<semaphore_mem>>) src(%dma_wait3A_156 : memref<1024xi32, #tpu.memory_space<hbm>>) dst(%arg5 : memref<1024xi32, #tpu.memory_space<vmem>>)
        tpu.yield
      }) : () -> ()
      %dma_start3A = arith.constant 0 : i32
      %dma_start3A_18 = arith.constant 0 : i32
      %dma_start3A_19 = tpu.memref_slice %arg6[%dma_start3A, %dma_start3A_18] : memref<1024x32xf32, #tpu.memory_space<vmem>> -> memref<128x32xf32, #tpu.memory_space<vmem>>
      %dma_start3A_20 = arith.constant 0 : i32
      %dma_start3A_21 = tpu.memref_slice %arg5[%dma_start3A_20] : memref<1024xi32, #tpu.memory_space<vmem>> -> memref<128xi32, #tpu.memory_space<vmem>>
      %dma_start3A_22 = arith.constant 0 : i32
      %dma_start3A_23 = arith.constant 0 : i32
      %dma_start3A_24 = tpu.memref_slice %arg2[%dma_start3A_22, %dma_start3A_23] : memref<2000x32xf32, #tpu.memory_space<hbm>> -> memref<2000x32xf32, #tpu.memory_space<hbm>>
      tpu.enqueue_indirect_dma source(%dma_start3A_24 : memref<2000x32xf32, #tpu.memory_space<hbm>>) target(%dma_start3A_19 : memref<128x32xf32, #tpu.memory_space<vmem>>) offsets(%dma_start3A_21 : memref<128xi32, #tpu.memory_space<vmem>>) semaphore(%arg7 : memref<!tpu.dma_semaphore, #tpu.memory_space<semaphore_mem>>)
      %dma_start3A_25 = arith.constant 128 : i32
      %dma_start3A_26 = arith.constant 0 : i32
      %dma_start3A_27 = tpu.memref_slice %arg6[%dma_start3A_25, %dma_start3A_26] : memref<1024x32xf32, #tpu.memory_space<vmem>> -> memref<128x32xf32, #tpu.memory_space<vmem>>
      %dma_start3A_28 = arith.constant 128 : i32
      %dma_start3A_29 = tpu.memref_slice %arg5[%dma_start3A_28] : memref<1024xi32, #tpu.memory_space<vmem>> -> memref<128xi32, #tpu.memory_space<vmem>>
      %dma_start3A_30 = arith.constant 0 : i32
      %dma_start3A_31 = arith.constant 0 : i32
      %dma_start3A_32 = tpu.memref_slice %arg2[%dma_start3A_30, %dma_start3A_31] : memref<2000x32xf32, #tpu.memory_space<hbm>> -> memref<2000x32xf32, #tpu.memory_space<hbm>>
      tpu.enqueue_indirect_dma source(%dma_start3A_32 : memref<2000x32xf32, #tpu.memory_space<hbm>>) target(%dma_start3A_27 : memref<128x32xf32, #tpu.memory_space<vmem>>) offsets(%dma_start3A_29 : memref<128xi32, #tpu.memory_space<vmem>>) semaphore(%arg7 : memref<!tpu.dma_semaphore, #tpu.memory_space<semaphore_mem>>)
      %dma_start3A_33 = arith.constant 256 : i32
      %dma_start3A_34 = arith.constant 0 : i32
      %dma_start3A_35 = tpu.memref_slice %arg6[%dma_start3A_33, %dma_start3A_34] : memref<1024x32xf32, #tpu.memory_space<vmem>> -> memref<128x32xf32, #tpu.memory_space<vmem>>
      %dma_start3A_36 = arith.constant 256 : i32
      %dma_start3A_37 = tpu.memref_slice %arg5[%dma_start3A_36] : memref<1024xi32, #tpu.memory_space<vmem>> -> memref<128xi32, #tpu.memory_space<vmem>>
      %dma_start3A_38 = arith.constant 0 : i32
      %dma_start3A_39 = arith.constant 0 : i32
      %dma_start3A_40 = tpu.memref_slice %arg2[%dma_start3A_38, %dma_start3A_39] : memref<2000x32xf32, #tpu.memory_space<hbm>> -> memref<2000x32xf32, #tpu.memory_space<hbm>>
      tpu.enqueue_indirect_dma source(%dma_start3A_40 : memref<2000x32xf32, #tpu.memory_space<hbm>>) target(%dma_start3A_35 : memref<128x32xf32, #tpu.memory_space<vmem>>) offsets(%dma_start3A_37 : memref<128xi32, #tpu.memory_space<vmem>>) semaphore(%arg7 : memref<!tpu.dma_semaphore, #tpu.memory_space<semaphore_mem>>)
      %dma_start3A_41 = arith.constant 384 : i32
      %dma_start3A_42 = arith.constant 0 : i32
      %dma_start3A_43 = tpu.memref_slice %arg6[%dma_start3A_41, %dma_start3A_42] : memref<1024x32xf32, #tpu.memory_space<vmem>> -> memref<128x32xf32, #tpu.memory_space<vmem>>
      %dma_start3A_44 = arith.constant 384 : i32
      %dma_start3A_45 = tpu.memref_slice %arg5[%dma_start3A_44] : memref<1024xi32, #tpu.memory_space<vmem>> -> memref<128xi32, #tpu.memory_space<vmem>>
      %dma_start3A_46 = arith.constant 0 : i32
      %dma_start3A_47 = arith.constant 0 : i32
      %dma_start3A_48 = tpu.memref_slice %arg2[%dma_start3A_46, %dma_start3A_47] : memref<2000x32xf32, #tpu.memory_space<hbm>> -> memref<2000x32xf32, #tpu.memory_space<hbm>>
      tpu.enqueue_indirect_dma source(%dma_start3A_48 : memref<2000x32xf32, #tpu.memory_space<hbm>>) target(%dma_start3A_43 : memref<128x32xf32, #tpu.memory_space<vmem>>) offsets(%dma_start3A_45 : memref<128xi32, #tpu.memory_space<vmem>>) semaphore(%arg7 : memref<!tpu.dma_semaphore, #tpu.memory_space<semaphore_mem>>)
      %dma_start3A_49 = arith.constant 512 : i32
      %dma_start3A_50 = arith.constant 0 : i32
      %dma_start3A_51 = tpu.memref_slice %arg6[%dma_start3A_49, %dma_start3A_50] : memref<1024x32xf32, #tpu.memory_space<vmem>> -> memref<128x32xf32, #tpu.memory_space<vmem>>
      %dma_start3A_52 = arith.constant 512 : i32
      %dma_start3A_53 = tpu.memref_slice %arg5[%dma_start3A_52] : memref<1024xi32, #tpu.memory_space<vmem>> -> memref<128xi32, #tpu.memory_space<vmem>>
      %dma_start3A_54 = arith.constant 0 : i32
      %dma_start3A_55 = arith.constant 0 : i32
      %dma_start3A_56 = tpu.memref_slice %arg2[%dma_start3A_54, %dma_start3A_55] : memref<2000x32xf32, #tpu.memory_space<hbm>> -> memref<2000x32xf32, #tpu.memory_space<hbm>>
      tpu.enqueue_indirect_dma source(%dma_start3A_56 : memref<2000x32xf32, #tpu.memory_space<hbm>>) target(%dma_start3A_51 : memref<128x32xf32, #tpu.memory_space<vmem>>) offsets(%dma_start3A_53 : memref<128xi32, #tpu.memory_space<vmem>>) semaphore(%arg7 : memref<!tpu.dma_semaphore, #tpu.memory_space<semaphore_mem>>)
      %dma_start3A_57 = arith.constant 640 : i32
      %dma_start3A_58 = arith.constant 0 : i32
      %dma_start3A_59 = tpu.memref_slice %arg6[%dma_start3A_57, %dma_start3A_58] : memref<1024x32xf32, #tpu.memory_space<vmem>> -> memref<128x32xf32, #tpu.memory_space<vmem>>
      %dma_start3A_60 = arith.constant 640 : i32
      %dma_start3A_61 = tpu.memref_slice %arg5[%dma_start3A_60] : memref<1024xi32, #tpu.memory_space<vmem>> -> memref<128xi32, #tpu.memory_space<vmem>>
      %dma_start3A_62 = arith.constant 0 : i32
      %dma_start3A_63 = arith.constant 0 : i32
      %dma_start3A_64 = tpu.memref_slice %arg2[%dma_start3A_62, %dma_start3A_63] : memref<2000x32xf32, #tpu.memory_space<hbm>> -> memref<2000x32xf32, #tpu.memory_space<hbm>>
      tpu.enqueue_indirect_dma source(%dma_start3A_64 : memref<2000x32xf32, #tpu.memory_space<hbm>>) target(%dma_start3A_59 : memref<128x32xf32, #tpu.memory_space<vmem>>) offsets(%dma_start3A_61 : memref<128xi32, #tpu.memory_space<vmem>>) semaphore(%arg7 : memref<!tpu.dma_semaphore, #tpu.memory_space<semaphore_mem>>)
      %dma_start3A_65 = arith.constant 768 : i32
      %dma_start3A_66 = arith.constant 0 : i32
      %dma_start3A_67 = tpu.memref_slice %arg6[%dma_start3A_65, %dma_start3A_66] : memref<1024x32xf32, #tpu.memory_space<vmem>> -> memref<128x32xf32, #tpu.memory_space<vmem>>
      %dma_start3A_68 = arith.constant 768 : i32
      %dma_start3A_69 = tpu.memref_slice %arg5[%dma_start3A_68] : memref<1024xi32, #tpu.memory_space<vmem>> -> memref<128xi32, #tpu.memory_space<vmem>>
      %dma_start3A_70 = arith.constant 0 : i32
      %dma_start3A_71 = arith.constant 0 : i32
      %dma_start3A_72 = tpu.memref_slice %arg2[%dma_start3A_70, %dma_start3A_71] : memref<2000x32xf32, #tpu.memory_space<hbm>> -> memref<2000x32xf32, #tpu.memory_space<hbm>>
      tpu.enqueue_indirect_dma source(%dma_start3A_72 : memref<2000x32xf32, #tpu.memory_space<hbm>>) target(%dma_start3A_67 : memref<128x32xf32, #tpu.memory_space<vmem>>) offsets(%dma_start3A_69 : memref<128xi32, #tpu.memory_space<vmem>>) semaphore(%arg7 : memref<!tpu.dma_semaphore, #tpu.memory_space<semaphore_mem>>)
      %dma_start3A_73 = arith.constant 896 : i32
      %dma_start3A_74 = arith.constant 0 : i32
      %dma_start3A_75 = tpu.memref_slice %arg6[%dma_start3A_73, %dma_start3A_74] : memref<1024x32xf32, #tpu.memory_space<vmem>> -> memref<128x32xf32, #tpu.memory_space<vmem>>
      %dma_start3A_76 = arith.constant 896 : i32
      %dma_start3A_77 = tpu.memref_slice %arg5[%dma_start3A_76] : memref<1024xi32, #tpu.memory_space<vmem>> -> memref<128xi32, #tpu.memory_space<vmem>>
      %dma_start3A_78 = arith.constant 0 : i32
      %dma_start3A_79 = arith.constant 0 : i32
      %dma_start3A_80 = tpu.memref_slice %arg2[%dma_start3A_78, %dma_start3A_79] : memref<2000x32xf32, #tpu.memory_space<hbm>> -> memref<2000x32xf32, #tpu.memory_space<hbm>>
      tpu.enqueue_indirect_dma source(%dma_start3A_80 : memref<2000x32xf32, #tpu.memory_space<hbm>>) target(%dma_start3A_75 : memref<128x32xf32, #tpu.memory_space<vmem>>) offsets(%dma_start3A_77 : memref<128xi32, #tpu.memory_space<vmem>>) semaphore(%arg7 : memref<!tpu.dma_semaphore, #tpu.memory_space<semaphore_mem>>)
      %dma_wait3A = arith.constant 0 : i32
      %dma_wait3A_81 = arith.constant 0 : i32
      %dma_wait3A_82 = tpu.memref_slice %arg6[%dma_wait3A, %dma_wait3A_81] : memref<1024x32xf32, #tpu.memory_space<vmem>> -> memref<128x32xf32, #tpu.memory_space<vmem>>
      %dma_wait3A_83 = arith.constant 0 : i32
      %dma_wait3A_84 = tpu.memref_slice %arg5[%dma_wait3A_83] : memref<1024xi32, #tpu.memory_space<vmem>> -> memref<128xi32, #tpu.memory_space<vmem>>
      %dma_wait3A_85 = arith.constant 0 : i32
      %dma_wait3A_86 = arith.constant 0 : i32
      %dma_wait3A_87 = tpu.memref_slice %arg2[%dma_wait3A_85, %dma_wait3A_86] : memref<2000x32xf32, #tpu.memory_space<hbm>> -> memref<2000x32xf32, #tpu.memory_space<hbm>>
      tpu.wait_indirect_dma semaphore(%arg7 : memref<!tpu.dma_semaphore, #tpu.memory_space<semaphore_mem>>) src(%dma_wait3A_87 : memref<2000x32xf32, #tpu.memory_space<hbm>>) dst(%dma_wait3A_82 : memref<128x32xf32, #tpu.memory_space<vmem>>)
      %dma_wait3A_88 = arith.constant 128 : i32
      %dma_wait3A_89 = arith.constant 0 : i32
      %dma_wait3A_90 = tpu.memref_slice %arg6[%dma_wait3A_88, %dma_wait3A_89] : memref<1024x32xf32, #tpu.memory_space<vmem>> -> memref<128x32xf32, #tpu.memory_space<vmem>>
      %dma_wait3A_91 = arith.constant 128 : i32
      %dma_wait3A_92 = tpu.memref_slice %arg5[%dma_wait3A_91] : memref<1024xi32, #tpu.memory_space<vmem>> -> memref<128xi32, #tpu.memory_space<vmem>>
      %dma_wait3A_93 = arith.constant 0 : i32
      %dma_wait3A_94 = arith.constant 0 : i32
      %dma_wait3A_95 = tpu.memref_slice %arg2[%dma_wait3A_93, %dma_wait3A_94] : memref<2000x32xf32, #tpu.memory_space<hbm>> -> memref<2000x32xf32, #tpu.memory_space<hbm>>
      tpu.wait_indirect_dma semaphore(%arg7 : memref<!tpu.dma_semaphore, #tpu.memory_space<semaphore_mem>>) src(%dma_wait3A_95 : memref<2000x32xf32, #tpu.memory_space<hbm>>) dst(%dma_wait3A_90 : memref<128x32xf32, #tpu.memory_space<vmem>>)
      %dma_wait3A_96 = arith.constant 256 : i32
      %dma_wait3A_97 = arith.constant 0 : i32
      %dma_wait3A_98 = tpu.memref_slice %arg6[%dma_wait3A_96, %dma_wait3A_97] : memref<1024x32xf32, #tpu.memory_space<vmem>> -> memref<128x32xf32, #tpu.memory_space<vmem>>
      %dma_wait3A_99 = arith.constant 256 : i32
      %dma_wait3A_100 = tpu.memref_slice %arg5[%dma_wait3A_99] : memref<1024xi32, #tpu.memory_space<vmem>> -> memref<128xi32, #tpu.memory_space<vmem>>
      %dma_wait3A_101 = arith.constant 0 : i32
      %dma_wait3A_102 = arith.constant 0 : i32
      %dma_wait3A_103 = tpu.memref_slice %arg2[%dma_wait3A_101, %dma_wait3A_102] : memref<2000x32xf32, #tpu.memory_space<hbm>> -> memref<2000x32xf32, #tpu.memory_space<hbm>>
      tpu.wait_indirect_dma semaphore(%arg7 : memref<!tpu.dma_semaphore, #tpu.memory_space<semaphore_mem>>) src(%dma_wait3A_103 : memref<2000x32xf32, #tpu.memory_space<hbm>>) dst(%dma_wait3A_98 : memref<128x32xf32, #tpu.memory_space<vmem>>)
      %dma_wait3A_104 = arith.constant 384 : i32
      %dma_wait3A_105 = arith.constant 0 : i32
      %dma_wait3A_106 = tpu.memref_slice %arg6[%dma_wait3A_104, %dma_wait3A_105] : memref<1024x32xf32, #tpu.memory_space<vmem>> -> memref<128x32xf32, #tpu.memory_space<vmem>>
      %dma_wait3A_107 = arith.constant 384 : i32
      %dma_wait3A_108 = tpu.memref_slice %arg5[%dma_wait3A_107] : memref<1024xi32, #tpu.memory_space<vmem>> -> memref<128xi32, #tpu.memory_space<vmem>>
      %dma_wait3A_109 = arith.constant 0 : i32
      %dma_wait3A_110 = arith.constant 0 : i32
      %dma_wait3A_111 = tpu.memref_slice %arg2[%dma_wait3A_109, %dma_wait3A_110] : memref<2000x32xf32, #tpu.memory_space<hbm>> -> memref<2000x32xf32, #tpu.memory_space<hbm>>
      tpu.wait_indirect_dma semaphore(%arg7 : memref<!tpu.dma_semaphore, #tpu.memory_space<semaphore_mem>>) src(%dma_wait3A_111 : memref<2000x32xf32, #tpu.memory_space<hbm>>) dst(%dma_wait3A_106 : memref<128x32xf32, #tpu.memory_space<vmem>>)
      %dma_wait3A_112 = arith.constant 512 : i32
      %dma_wait3A_113 = arith.constant 0 : i32
      %dma_wait3A_114 = tpu.memref_slice %arg6[%dma_wait3A_112, %dma_wait3A_113] : memref<1024x32xf32, #tpu.memory_space<vmem>> -> memref<128x32xf32, #tpu.memory_space<vmem>>
      %dma_wait3A_115 = arith.constant 512 : i32
      %dma_wait3A_116 = tpu.memref_slice %arg5[%dma_wait3A_115] : memref<1024xi32, #tpu.memory_space<vmem>> -> memref<128xi32, #tpu.memory_space<vmem>>
      %dma_wait3A_117 = arith.constant 0 : i32
      %dma_wait3A_118 = arith.constant 0 : i32
      %dma_wait3A_119 = tpu.memref_slice %arg2[%dma_wait3A_117, %dma_wait3A_118] : memref<2000x32xf32, #tpu.memory_space<hbm>> -> memref<2000x32xf32, #tpu.memory_space<hbm>>
      tpu.wait_indirect_dma semaphore(%arg7 : memref<!tpu.dma_semaphore, #tpu.memory_space<semaphore_mem>>) src(%dma_wait3A_119 : memref<2000x32xf32, #tpu.memory_space<hbm>>) dst(%dma_wait3A_114 : memref<128x32xf32, #tpu.memory_space<vmem>>)
      %dma_wait3A_120 = arith.constant 640 : i32
      %dma_wait3A_121 = arith.constant 0 : i32
      %dma_wait3A_122 = tpu.memref_slice %arg6[%dma_wait3A_120, %dma_wait3A_121] : memref<1024x32xf32, #tpu.memory_space<vmem>> -> memref<128x32xf32, #tpu.memory_space<vmem>>
      %dma_wait3A_123 = arith.constant 640 : i32
      %dma_wait3A_124 = tpu.memref_slice %arg5[%dma_wait3A_123] : memref<1024xi32, #tpu.memory_space<vmem>> -> memref<128xi32, #tpu.memory_space<vmem>>
      %dma_wait3A_125 = arith.constant 0 : i32
      %dma_wait3A_126 = arith.constant 0 : i32
      %dma_wait3A_127 = tpu.memref_slice %arg2[%dma_wait3A_125, %dma_wait3A_126] : memref<2000x32xf32, #tpu.memory_space<hbm>> -> memref<2000x32xf32, #tpu.memory_space<hbm>>
      tpu.wait_indirect_dma semaphore(%arg7 : memref<!tpu.dma_semaphore, #tpu.memory_space<semaphore_mem>>) src(%dma_wait3A_127 : memref<2000x32xf32, #tpu.memory_space<hbm>>) dst(%dma_wait3A_122 : memref<128x32xf32, #tpu.memory_space<vmem>>)
      %dma_wait3A_128 = arith.constant 768 : i32
      %dma_wait3A_129 = arith.constant 0 : i32
      %dma_wait3A_130 = tpu.memref_slice %arg6[%dma_wait3A_128, %dma_wait3A_129] : memref<1024x32xf32, #tpu.memory_space<vmem>> -> memref<128x32xf32, #tpu.memory_space<vmem>>
      %dma_wait3A_131 = arith.constant 768 : i32
      %dma_wait3A_132 = tpu.memref_slice %arg5[%dma_wait3A_131] : memref<1024xi32, #tpu.memory_space<vmem>> -> memref<128xi32, #tpu.memory_space<vmem>>
      %dma_wait3A_133 = arith.constant 0 : i32
      %dma_wait3A_134 = arith.constant 0 : i32
      %dma_wait3A_135 = tpu.memref_slice %arg2[%dma_wait3A_133, %dma_wait3A_134] : memref<2000x32xf32, #tpu.memory_space<hbm>> -> memref<2000x32xf32, #tpu.memory_space<hbm>>
      tpu.wait_indirect_dma semaphore(%arg7 : memref<!tpu.dma_semaphore, #tpu.memory_space<semaphore_mem>>) src(%dma_wait3A_135 : memref<2000x32xf32, #tpu.memory_space<hbm>>) dst(%dma_wait3A_130 : memref<128x32xf32, #tpu.memory_space<vmem>>)
      %dma_wait3A_136 = arith.constant 896 : i32
      %dma_wait3A_137 = arith.constant 0 : i32
      %dma_wait3A_138 = tpu.memref_slice %arg6[%dma_wait3A_136, %dma_wait3A_137] : memref<1024x32xf32, #tpu.memory_space<vmem>> -> memref<128x32xf32, #tpu.memory_space<vmem>>
      %dma_wait3A_139 = arith.constant 896 : i32
      %dma_wait3A_140 = tpu.memref_slice %arg5[%dma_wait3A_139] : memref<1024xi32, #tpu.memory_space<vmem>> -> memref<128xi32, #tpu.memory_space<vmem>>
      %dma_wait3A_141 = arith.constant 0 : i32
      %dma_wait3A_142 = arith.constant 0 : i32
      %dma_wait3A_143 = tpu.memref_slice %arg2[%dma_wait3A_141, %dma_wait3A_142] : memref<2000x32xf32, #tpu.memory_space<hbm>> -> memref<2000x32xf32, #tpu.memory_space<hbm>>
      tpu.wait_indirect_dma semaphore(%arg7 : memref<!tpu.dma_semaphore, #tpu.memory_space<semaphore_mem>>) src(%dma_wait3A_143 : memref<2000x32xf32, #tpu.memory_space<hbm>>) dst(%dma_wait3A_138 : memref<128x32xf32, #tpu.memory_space<vmem>>)
      %run_scoped3A = arith.constant 2 : i32
      "tpu.region"() ({
        %run_scoped3A_144 = tpu.sem_alloc : memref<!tpu.dma_semaphore, #tpu.memory_space<semaphore_mem>>
        %dma_start3A_145 = arith.constant 0 : i32
        %dma_start3A_146 = arith.constant 0 : i32
        %dma_start3A_147 = tpu.memref_slice %arg4[%add3A, %run_scoped3A, %dma_start3A_145, %dma_start3A_146] : memref<25x4x1024x32xf32, #tpu.memory_space<hbm>> -> memref<1x1x1024x32xf32, #tpu.memory_space<hbm>>
        %dma_start3A_148 = tpu.memref_squeeze %dma_start3A_147 : memref<1x1x1024x32xf32, #tpu.memory_space<hbm>> -> memref<1024x32xf32, #tpu.memory_space<hbm>>
        %dma_start3A_149 = arith.constant 0 : i32
        %dma_start3A_150 = arith.constant 0 : i32
        %dma_start3A_151 = tpu.memref_slice %arg4[%add3A, %run_scoped3A, %dma_start3A_149, %dma_start3A_150] : memref<25x4x1024x32xf32, #tpu.memory_space<hbm>> -> memref<1x1x1024x32xf32, #tpu.memory_space<hbm>>
        %dma_start3A_152 = tpu.memref_squeeze %dma_start3A_151 : memref<1x1x1024x32xf32, #tpu.memory_space<hbm>> -> memref<1024x32xf32, #tpu.memory_space<hbm>>
        tpu.enqueue_dma source(%arg6 : memref<1024x32xf32, #tpu.memory_space<vmem>>) target(%dma_start3A_152 : memref<1024x32xf32, #tpu.memory_space<hbm>>) target_semaphore(%run_scoped3A_144 : memref<!tpu.dma_semaphore, #tpu.memory_space<semaphore_mem>>)
        %dma_wait3A_153 = arith.constant 0 : i32
        %dma_wait3A_154 = arith.constant 0 : i32
        %dma_wait3A_155 = tpu.memref_slice %arg4[%add3A, %run_scoped3A, %dma_wait3A_153, %dma_wait3A_154] : memref<25x4x1024x32xf32, #tpu.memory_space<hbm>> -> memref<1x1x1024x32xf32, #tpu.memory_space<hbm>>
        %dma_wait3A_156 = tpu.memref_squeeze %dma_wait3A_155 : memref<1x1x1024x32xf32, #tpu.memory_space<hbm>> -> memref<1024x32xf32, #tpu.memory_space<hbm>>
        %dma_wait3A_157 = arith.constant 0 : i32
        %dma_wait3A_158 = arith.constant 0 : i32
        %dma_wait3A_159 = tpu.memref_slice %arg4[%add3A, %run_scoped3A, %dma_wait3A_157, %dma_wait3A_158] : memref<25x4x1024x32xf32, #tpu.memory_space<hbm>> -> memref<1x1x1024x32xf32, #tpu.memory_space<hbm>>
        %dma_wait3A_160 = tpu.memref_squeeze %dma_wait3A_159 : memref<1x1x1024x32xf32, #tpu.memory_space<hbm>> -> memref<1024x32xf32, #tpu.memory_space<hbm>>
        tpu.wait_dma2 semaphore(%run_scoped3A_144 : memref<!tpu.dma_semaphore, #tpu.memory_space<semaphore_mem>>) src(%arg6 : memref<1024x32xf32, #tpu.memory_space<vmem>>) dst(%dma_wait3A_160 : memref<1024x32xf32, #tpu.memory_space<hbm>>)
        tpu.yield
      }) : () -> ()
    } else {
    }
    %lt3A_13 = arith.constant 25 : i32
    %lt3A_14 = arith.cmpi slt, %add3A, %lt3A_13 : i32
    %convert_element_type3A_15 = arith.extui %lt3A_14 : i1 to i32
    %cond3A_16 = arith.constant 0 : i32
    %cond3A_17 = arith.cmpi ne, %convert_element_type3A_15, %cond3A_16 : i32
    scf.if %cond3A_17 {
      "tpu.region"() ({
        %run_scoped3A_144 = tpu.sem_alloc : memref<!tpu.dma_semaphore, #tpu.memory_space<semaphore_mem>>
        %dma_start3A_145 = arith.constant 3072 : i32
        %dma_start3A_146 = tpu.memref_slice %arg3[%add3A, %dma_start3A_145] : memref<25x4096xi32, #tpu.memory_space<hbm>> -> memref<1x1024xi32, #tpu.memory_space<hbm>>
        %dma_start3A_147 = tpu.memref_squeeze %dma_start3A_146 : memref<1x1024xi32, #tpu.memory_space<hbm>> -> memref<1024xi32, #tpu.memory_space<hbm>>
        %dma_start3A_148 = arith.constant 3072 : i32
        %dma_start3A_149 = tpu.memref_slice %arg3[%add3A, %dma_start3A_148] : memref<25x4096xi32, #tpu.memory_space<hbm>> -> memref<1x1024xi32, #tpu.memory_space<hbm>>
        %dma_start3A_150 = tpu.memref_squeeze %dma_start3A_149 : memref<1x1024xi32, #tpu.memory_space<hbm>> -> memref<1024xi32, #tpu.memory_space<hbm>>
        tpu.enqueue_dma source(%dma_start3A_150 : memref<1024xi32, #tpu.memory_space<hbm>>) target(%arg5 : memref<1024xi32, #tpu.memory_space<vmem>>) target_semaphore(%run_scoped3A_144 : memref<!tpu.dma_semaphore, #tpu.memory_space<semaphore_mem>>)
        %dma_wait3A_151 = arith.constant 3072 : i32
        %dma_wait3A_152 = tpu.memref_slice %arg3[%add3A, %dma_wait3A_151] : memref<25x4096xi32, #tpu.memory_space<hbm>> -> memref<1x1024xi32, #tpu.memory_space<hbm>>
        %dma_wait3A_153 = tpu.memref_squeeze %dma_wait3A_152 : memref<1x1024xi32, #tpu.memory_space<hbm>> -> memref<1024xi32, #tpu.memory_space<hbm>>
        %dma_wait3A_154 = arith.constant 3072 : i32
        %dma_wait3A_155 = tpu.memref_slice %arg3[%add3A, %dma_wait3A_154] : memref<25x4096xi32, #tpu.memory_space<hbm>> -> memref<1x1024xi32, #tpu.memory_space<hbm>>
        %dma_wait3A_156 = tpu.memref_squeeze %dma_wait3A_155 : memref<1x1024xi32, #tpu.memory_space<hbm>> -> memref<1024xi32, #tpu.memory_space<hbm>>
        tpu.wait_dma2 semaphore(%run_scoped3A_144 : memref<!tpu.dma_semaphore, #tpu.memory_space<semaphore_mem>>) src(%dma_wait3A_156 : memref<1024xi32, #tpu.memory_space<hbm>>) dst(%arg5 : memref<1024xi32, #tpu.memory_space<vmem>>)
        tpu.yield
      }) : () -> ()
      %dma_start3A = arith.constant 0 : i32
      %dma_start3A_18 = arith.constant 0 : i32
      %dma_start3A_19 = tpu.memref_slice %arg6[%dma_start3A, %dma_start3A_18] : memref<1024x32xf32, #tpu.memory_space<vmem>> -> memref<128x32xf32, #tpu.memory_space<vmem>>
      %dma_start3A_20 = arith.constant 0 : i32
      %dma_start3A_21 = tpu.memref_slice %arg5[%dma_start3A_20] : memref<1024xi32, #tpu.memory_space<vmem>> -> memref<128xi32, #tpu.memory_space<vmem>>
      %dma_start3A_22 = arith.constant 0 : i32
      %dma_start3A_23 = arith.constant 0 : i32
      %dma_start3A_24 = tpu.memref_slice %arg2[%dma_start3A_22, %dma_start3A_23] : memref<2000x32xf32, #tpu.memory_space<hbm>> -> memref<2000x32xf32, #tpu.memory_space<hbm>>
      tpu.enqueue_indirect_dma source(%dma_start3A_24 : memref<2000x32xf32, #tpu.memory_space<hbm>>) target(%dma_start3A_19 : memref<128x32xf32, #tpu.memory_space<vmem>>) offsets(%dma_start3A_21 : memref<128xi32, #tpu.memory_space<vmem>>) semaphore(%arg7 : memref<!tpu.dma_semaphore, #tpu.memory_space<semaphore_mem>>)
      %dma_start3A_25 = arith.constant 128 : i32
      %dma_start3A_26 = arith.constant 0 : i32
      %dma_start3A_27 = tpu.memref_slice %arg6[%dma_start3A_25, %dma_start3A_26] : memref<1024x32xf32, #tpu.memory_space<vmem>> -> memref<128x32xf32, #tpu.memory_space<vmem>>
      %dma_start3A_28 = arith.constant 128 : i32
      %dma_start3A_29 = tpu.memref_slice %arg5[%dma_start3A_28] : memref<1024xi32, #tpu.memory_space<vmem>> -> memref<128xi32, #tpu.memory_space<vmem>>
      %dma_start3A_30 = arith.constant 0 : i32
      %dma_start3A_31 = arith.constant 0 : i32
      %dma_start3A_32 = tpu.memref_slice %arg2[%dma_start3A_30, %dma_start3A_31] : memref<2000x32xf32, #tpu.memory_space<hbm>> -> memref<2000x32xf32, #tpu.memory_space<hbm>>
      tpu.enqueue_indirect_dma source(%dma_start3A_32 : memref<2000x32xf32, #tpu.memory_space<hbm>>) target(%dma_start3A_27 : memref<128x32xf32, #tpu.memory_space<vmem>>) offsets(%dma_start3A_29 : memref<128xi32, #tpu.memory_space<vmem>>) semaphore(%arg7 : memref<!tpu.dma_semaphore, #tpu.memory_space<semaphore_mem>>)
      %dma_start3A_33 = arith.constant 256 : i32
      %dma_start3A_34 = arith.constant 0 : i32
      %dma_start3A_35 = tpu.memref_slice %arg6[%dma_start3A_33, %dma_start3A_34] : memref<1024x32xf32, #tpu.memory_space<vmem>> -> memref<128x32xf32, #tpu.memory_space<vmem>>
      %dma_start3A_36 = arith.constant 256 : i32
      %dma_start3A_37 = tpu.memref_slice %arg5[%dma_start3A_36] : memref<1024xi32, #tpu.memory_space<vmem>> -> memref<128xi32, #tpu.memory_space<vmem>>
      %dma_start3A_38 = arith.constant 0 : i32
      %dma_start3A_39 = arith.constant 0 : i32
      %dma_start3A_40 = tpu.memref_slice %arg2[%dma_start3A_38, %dma_start3A_39] : memref<2000x32xf32, #tpu.memory_space<hbm>> -> memref<2000x32xf32, #tpu.memory_space<hbm>>
      tpu.enqueue_indirect_dma source(%dma_start3A_40 : memref<2000x32xf32, #tpu.memory_space<hbm>>) target(%dma_start3A_35 : memref<128x32xf32, #tpu.memory_space<vmem>>) offsets(%dma_start3A_37 : memref<128xi32, #tpu.memory_space<vmem>>) semaphore(%arg7 : memref<!tpu.dma_semaphore, #tpu.memory_space<semaphore_mem>>)
      %dma_start3A_41 = arith.constant 384 : i32
      %dma_start3A_42 = arith.constant 0 : i32
      %dma_start3A_43 = tpu.memref_slice %arg6[%dma_start3A_41, %dma_start3A_42] : memref<1024x32xf32, #tpu.memory_space<vmem>> -> memref<128x32xf32, #tpu.memory_space<vmem>>
      %dma_start3A_44 = arith.constant 384 : i32
      %dma_start3A_45 = tpu.memref_slice %arg5[%dma_start3A_44] : memref<1024xi32, #tpu.memory_space<vmem>> -> memref<128xi32, #tpu.memory_space<vmem>>
      %dma_start3A_46 = arith.constant 0 : i32
      %dma_start3A_47 = arith.constant 0 : i32
      %dma_start3A_48 = tpu.memref_slice %arg2[%dma_start3A_46, %dma_start3A_47] : memref<2000x32xf32, #tpu.memory_space<hbm>> -> memref<2000x32xf32, #tpu.memory_space<hbm>>
      tpu.enqueue_indirect_dma source(%dma_start3A_48 : memref<2000x32xf32, #tpu.memory_space<hbm>>) target(%dma_start3A_43 : memref<128x32xf32, #tpu.memory_space<vmem>>) offsets(%dma_start3A_45 : memref<128xi32, #tpu.memory_space<vmem>>) semaphore(%arg7 : memref<!tpu.dma_semaphore, #tpu.memory_space<semaphore_mem>>)
      %dma_start3A_49 = arith.constant 512 : i32
      %dma_start3A_50 = arith.constant 0 : i32
      %dma_start3A_51 = tpu.memref_slice %arg6[%dma_start3A_49, %dma_start3A_50] : memref<1024x32xf32, #tpu.memory_space<vmem>> -> memref<128x32xf32, #tpu.memory_space<vmem>>
      %dma_start3A_52 = arith.constant 512 : i32
      %dma_start3A_53 = tpu.memref_slice %arg5[%dma_start3A_52] : memref<1024xi32, #tpu.memory_space<vmem>> -> memref<128xi32, #tpu.memory_space<vmem>>
      %dma_start3A_54 = arith.constant 0 : i32
      %dma_start3A_55 = arith.constant 0 : i32
      %dma_start3A_56 = tpu.memref_slice %arg2[%dma_start3A_54, %dma_start3A_55] : memref<2000x32xf32, #tpu.memory_space<hbm>> -> memref<2000x32xf32, #tpu.memory_space<hbm>>
      tpu.enqueue_indirect_dma source(%dma_start3A_56 : memref<2000x32xf32, #tpu.memory_space<hbm>>) target(%dma_start3A_51 : memref<128x32xf32, #tpu.memory_space<vmem>>) offsets(%dma_start3A_53 : memref<128xi32, #tpu.memory_space<vmem>>) semaphore(%arg7 : memref<!tpu.dma_semaphore, #tpu.memory_space<semaphore_mem>>)
      %dma_start3A_57 = arith.constant 640 : i32
      %dma_start3A_58 = arith.constant 0 : i32
      %dma_start3A_59 = tpu.memref_slice %arg6[%dma_start3A_57, %dma_start3A_58] : memref<1024x32xf32, #tpu.memory_space<vmem>> -> memref<128x32xf32, #tpu.memory_space<vmem>>
      %dma_start3A_60 = arith.constant 640 : i32
      %dma_start3A_61 = tpu.memref_slice %arg5[%dma_start3A_60] : memref<1024xi32, #tpu.memory_space<vmem>> -> memref<128xi32, #tpu.memory_space<vmem>>
      %dma_start3A_62 = arith.constant 0 : i32
      %dma_start3A_63 = arith.constant 0 : i32
      %dma_start3A_64 = tpu.memref_slice %arg2[%dma_start3A_62, %dma_start3A_63] : memref<2000x32xf32, #tpu.memory_space<hbm>> -> memref<2000x32xf32, #tpu.memory_space<hbm>>
      tpu.enqueue_indirect_dma source(%dma_start3A_64 : memref<2000x32xf32, #tpu.memory_space<hbm>>) target(%dma_start3A_59 : memref<128x32xf32, #tpu.memory_space<vmem>>) offsets(%dma_start3A_61 : memref<128xi32, #tpu.memory_space<vmem>>) semaphore(%arg7 : memref<!tpu.dma_semaphore, #tpu.memory_space<semaphore_mem>>)
      %dma_start3A_65 = arith.constant 768 : i32
      %dma_start3A_66 = arith.constant 0 : i32
      %dma_start3A_67 = tpu.memref_slice %arg6[%dma_start3A_65, %dma_start3A_66] : memref<1024x32xf32, #tpu.memory_space<vmem>> -> memref<128x32xf32, #tpu.memory_space<vmem>>
      %dma_start3A_68 = arith.constant 768 : i32
      %dma_start3A_69 = tpu.memref_slice %arg5[%dma_start3A_68] : memref<1024xi32, #tpu.memory_space<vmem>> -> memref<128xi32, #tpu.memory_space<vmem>>
      %dma_start3A_70 = arith.constant 0 : i32
      %dma_start3A_71 = arith.constant 0 : i32
      %dma_start3A_72 = tpu.memref_slice %arg2[%dma_start3A_70, %dma_start3A_71] : memref<2000x32xf32, #tpu.memory_space<hbm>> -> memref<2000x32xf32, #tpu.memory_space<hbm>>
      tpu.enqueue_indirect_dma source(%dma_start3A_72 : memref<2000x32xf32, #tpu.memory_space<hbm>>) target(%dma_start3A_67 : memref<128x32xf32, #tpu.memory_space<vmem>>) offsets(%dma_start3A_69 : memref<128xi32, #tpu.memory_space<vmem>>) semaphore(%arg7 : memref<!tpu.dma_semaphore, #tpu.memory_space<semaphore_mem>>)
      %dma_start3A_73 = arith.constant 896 : i32
      %dma_start3A_74 = arith.constant 0 : i32
      %dma_start3A_75 = tpu.memref_slice %arg6[%dma_start3A_73, %dma_start3A_74] : memref<1024x32xf32, #tpu.memory_space<vmem>> -> memref<128x32xf32, #tpu.memory_space<vmem>>
      %dma_start3A_76 = arith.constant 896 : i32
      %dma_start3A_77 = tpu.memref_slice %arg5[%dma_start3A_76] : memref<1024xi32, #tpu.memory_space<vmem>> -> memref<128xi32, #tpu.memory_space<vmem>>
      %dma_start3A_78 = arith.constant 0 : i32
      %dma_start3A_79 = arith.constant 0 : i32
      %dma_start3A_80 = tpu.memref_slice %arg2[%dma_start3A_78, %dma_start3A_79] : memref<2000x32xf32, #tpu.memory_space<hbm>> -> memref<2000x32xf32, #tpu.memory_space<hbm>>
      tpu.enqueue_indirect_dma source(%dma_start3A_80 : memref<2000x32xf32, #tpu.memory_space<hbm>>) target(%dma_start3A_75 : memref<128x32xf32, #tpu.memory_space<vmem>>) offsets(%dma_start3A_77 : memref<128xi32, #tpu.memory_space<vmem>>) semaphore(%arg7 : memref<!tpu.dma_semaphore, #tpu.memory_space<semaphore_mem>>)
      %dma_wait3A = arith.constant 0 : i32
      %dma_wait3A_81 = arith.constant 0 : i32
      %dma_wait3A_82 = tpu.memref_slice %arg6[%dma_wait3A, %dma_wait3A_81] : memref<1024x32xf32, #tpu.memory_space<vmem>> -> memref<128x32xf32, #tpu.memory_space<vmem>>
      %dma_wait3A_83 = arith.constant 0 : i32
      %dma_wait3A_84 = tpu.memref_slice %arg5[%dma_wait3A_83] : memref<1024xi32, #tpu.memory_space<vmem>> -> memref<128xi32, #tpu.memory_space<vmem>>
      %dma_wait3A_85 = arith.constant 0 : i32
      %dma_wait3A_86 = arith.constant 0 : i32
      %dma_wait3A_87 = tpu.memref_slice %arg2[%dma_wait3A_85, %dma_wait3A_86] : memref<2000x32xf32, #tpu.memory_space<hbm>> -> memref<2000x32xf32, #tpu.memory_space<hbm>>
      tpu.wait_indirect_dma semaphore(%arg7 : memref<!tpu.dma_semaphore, #tpu.memory_space<semaphore_mem>>) src(%dma_wait3A_87 : memref<2000x32xf32, #tpu.memory_space<hbm>>) dst(%dma_wait3A_82 : memref<128x32xf32, #tpu.memory_space<vmem>>)
      %dma_wait3A_88 = arith.constant 128 : i32
      %dma_wait3A_89 = arith.constant 0 : i32
      %dma_wait3A_90 = tpu.memref_slice %arg6[%dma_wait3A_88, %dma_wait3A_89] : memref<1024x32xf32, #tpu.memory_space<vmem>> -> memref<128x32xf32, #tpu.memory_space<vmem>>
      %dma_wait3A_91 = arith.constant 128 : i32
      %dma_wait3A_92 = tpu.memref_slice %arg5[%dma_wait3A_91] : memref<1024xi32, #tpu.memory_space<vmem>> -> memref<128xi32, #tpu.memory_space<vmem>>
      %dma_wait3A_93 = arith.constant 0 : i32
      %dma_wait3A_94 = arith.constant 0 : i32
      %dma_wait3A_95 = tpu.memref_slice %arg2[%dma_wait3A_93, %dma_wait3A_94] : memref<2000x32xf32, #tpu.memory_space<hbm>> -> memref<2000x32xf32, #tpu.memory_space<hbm>>
      tpu.wait_indirect_dma semaphore(%arg7 : memref<!tpu.dma_semaphore, #tpu.memory_space<semaphore_mem>>) src(%dma_wait3A_95 : memref<2000x32xf32, #tpu.memory_space<hbm>>) dst(%dma_wait3A_90 : memref<128x32xf32, #tpu.memory_space<vmem>>)
      %dma_wait3A_96 = arith.constant 256 : i32
      %dma_wait3A_97 = arith.constant 0 : i32
      %dma_wait3A_98 = tpu.memref_slice %arg6[%dma_wait3A_96, %dma_wait3A_97] : memref<1024x32xf32, #tpu.memory_space<vmem>> -> memref<128x32xf32, #tpu.memory_space<vmem>>
      %dma_wait3A_99 = arith.constant 256 : i32
      %dma_wait3A_100 = tpu.memref_slice %arg5[%dma_wait3A_99] : memref<1024xi32, #tpu.memory_space<vmem>> -> memref<128xi32, #tpu.memory_space<vmem>>
      %dma_wait3A_101 = arith.constant 0 : i32
      %dma_wait3A_102 = arith.constant 0 : i32
      %dma_wait3A_103 = tpu.memref_slice %arg2[%dma_wait3A_101, %dma_wait3A_102] : memref<2000x32xf32, #tpu.memory_space<hbm>> -> memref<2000x32xf32, #tpu.memory_space<hbm>>
      tpu.wait_indirect_dma semaphore(%arg7 : memref<!tpu.dma_semaphore, #tpu.memory_space<semaphore_mem>>) src(%dma_wait3A_103 : memref<2000x32xf32, #tpu.memory_space<hbm>>) dst(%dma_wait3A_98 : memref<128x32xf32, #tpu.memory_space<vmem>>)
      %dma_wait3A_104 = arith.constant 384 : i32
      %dma_wait3A_105 = arith.constant 0 : i32
      %dma_wait3A_106 = tpu.memref_slice %arg6[%dma_wait3A_104, %dma_wait3A_105] : memref<1024x32xf32, #tpu.memory_space<vmem>> -> memref<128x32xf32, #tpu.memory_space<vmem>>
      %dma_wait3A_107 = arith.constant 384 : i32
      %dma_wait3A_108 = tpu.memref_slice %arg5[%dma_wait3A_107] : memref<1024xi32, #tpu.memory_space<vmem>> -> memref<128xi32, #tpu.memory_space<vmem>>
      %dma_wait3A_109 = arith.constant 0 : i32
      %dma_wait3A_110 = arith.constant 0 : i32
      %dma_wait3A_111 = tpu.memref_slice %arg2[%dma_wait3A_109, %dma_wait3A_110] : memref<2000x32xf32, #tpu.memory_space<hbm>> -> memref<2000x32xf32, #tpu.memory_space<hbm>>
      tpu.wait_indirect_dma semaphore(%arg7 : memref<!tpu.dma_semaphore, #tpu.memory_space<semaphore_mem>>) src(%dma_wait3A_111 : memref<2000x32xf32, #tpu.memory_space<hbm>>) dst(%dma_wait3A_106 : memref<128x32xf32, #tpu.memory_space<vmem>>)
      %dma_wait3A_112 = arith.constant 512 : i32
      %dma_wait3A_113 = arith.constant 0 : i32
      %dma_wait3A_114 = tpu.memref_slice %arg6[%dma_wait3A_112, %dma_wait3A_113] : memref<1024x32xf32, #tpu.memory_space<vmem>> -> memref<128x32xf32, #tpu.memory_space<vmem>>
      %dma_wait3A_115 = arith.constant 512 : i32
      %dma_wait3A_116 = tpu.memref_slice %arg5[%dma_wait3A_115] : memref<1024xi32, #tpu.memory_space<vmem>> -> memref<128xi32, #tpu.memory_space<vmem>>
      %dma_wait3A_117 = arith.constant 0 : i32
      %dma_wait3A_118 = arith.constant 0 : i32
      %dma_wait3A_119 = tpu.memref_slice %arg2[%dma_wait3A_117, %dma_wait3A_118] : memref<2000x32xf32, #tpu.memory_space<hbm>> -> memref<2000x32xf32, #tpu.memory_space<hbm>>
      tpu.wait_indirect_dma semaphore(%arg7 : memref<!tpu.dma_semaphore, #tpu.memory_space<semaphore_mem>>) src(%dma_wait3A_119 : memref<2000x32xf32, #tpu.memory_space<hbm>>) dst(%dma_wait3A_114 : memref<128x32xf32, #tpu.memory_space<vmem>>)
      %dma_wait3A_120 = arith.constant 640 : i32
      %dma_wait3A_121 = arith.constant 0 : i32
      %dma_wait3A_122 = tpu.memref_slice %arg6[%dma_wait3A_120, %dma_wait3A_121] : memref<1024x32xf32, #tpu.memory_space<vmem>> -> memref<128x32xf32, #tpu.memory_space<vmem>>
      %dma_wait3A_123 = arith.constant 640 : i32
      %dma_wait3A_124 = tpu.memref_slice %arg5[%dma_wait3A_123] : memref<1024xi32, #tpu.memory_space<vmem>> -> memref<128xi32, #tpu.memory_space<vmem>>
      %dma_wait3A_125 = arith.constant 0 : i32
      %dma_wait3A_126 = arith.constant 0 : i32
      %dma_wait3A_127 = tpu.memref_slice %arg2[%dma_wait3A_125, %dma_wait3A_126] : memref<2000x32xf32, #tpu.memory_space<hbm>> -> memref<2000x32xf32, #tpu.memory_space<hbm>>
      tpu.wait_indirect_dma semaphore(%arg7 : memref<!tpu.dma_semaphore, #tpu.memory_space<semaphore_mem>>) src(%dma_wait3A_127 : memref<2000x32xf32, #tpu.memory_space<hbm>>) dst(%dma_wait3A_122 : memref<128x32xf32, #tpu.memory_space<vmem>>)
      %dma_wait3A_128 = arith.constant 768 : i32
      %dma_wait3A_129 = arith.constant 0 : i32
      %dma_wait3A_130 = tpu.memref_slice %arg6[%dma_wait3A_128, %dma_wait3A_129] : memref<1024x32xf32, #tpu.memory_space<vmem>> -> memref<128x32xf32, #tpu.memory_space<vmem>>
      %dma_wait3A_131 = arith.constant 768 : i32
      %dma_wait3A_132 = tpu.memref_slice %arg5[%dma_wait3A_131] : memref<1024xi32, #tpu.memory_space<vmem>> -> memref<128xi32, #tpu.memory_space<vmem>>
      %dma_wait3A_133 = arith.constant 0 : i32
      %dma_wait3A_134 = arith.constant 0 : i32
      %dma_wait3A_135 = tpu.memref_slice %arg2[%dma_wait3A_133, %dma_wait3A_134] : memref<2000x32xf32, #tpu.memory_space<hbm>> -> memref<2000x32xf32, #tpu.memory_space<hbm>>
      tpu.wait_indirect_dma semaphore(%arg7 : memref<!tpu.dma_semaphore, #tpu.memory_space<semaphore_mem>>) src(%dma_wait3A_135 : memref<2000x32xf32, #tpu.memory_space<hbm>>) dst(%dma_wait3A_130 : memref<128x32xf32, #tpu.memory_space<vmem>>)
      %dma_wait3A_136 = arith.constant 896 : i32
      %dma_wait3A_137 = arith.constant 0 : i32
      %dma_wait3A_138 = tpu.memref_slice %arg6[%dma_wait3A_136, %dma_wait3A_137] : memref<1024x32xf32, #tpu.memory_space<vmem>> -> memref<128x32xf32, #tpu.memory_space<vmem>>
      %dma_wait3A_139 = arith.constant 896 : i32
      %dma_wait3A_140 = tpu.memref_slice %arg5[%dma_wait3A_139] : memref<1024xi32, #tpu.memory_space<vmem>> -> memref<128xi32, #tpu.memory_space<vmem>>
      %dma_wait3A_141 = arith.constant 0 : i32
      %dma_wait3A_142 = arith.constant 0 : i32
      %dma_wait3A_143 = tpu.memref_slice %arg2[%dma_wait3A_141, %dma_wait3A_142] : memref<2000x32xf32, #tpu.memory_space<hbm>> -> memref<2000x32xf32, #tpu.memory_space<hbm>>
      tpu.wait_indirect_dma semaphore(%arg7 : memref<!tpu.dma_semaphore, #tpu.memory_space<semaphore_mem>>) src(%dma_wait3A_143 : memref<2000x32xf32, #tpu.memory_space<hbm>>) dst(%dma_wait3A_138 : memref<128x32xf32, #tpu.memory_space<vmem>>)
      %run_scoped3A = arith.constant 3 : i32
      "tpu.region"() ({
        %run_scoped3A_144 = tpu.sem_alloc : memref<!tpu.dma_semaphore, #tpu.memory_space<semaphore_mem>>
        %dma_start3A_145 = arith.constant 0 : i32
        %dma_start3A_146 = arith.constant 0 : i32
        %dma_start3A_147 = tpu.memref_slice %arg4[%add3A, %run_scoped3A, %dma_start3A_145, %dma_start3A_146] : memref<25x4x1024x32xf32, #tpu.memory_space<hbm>> -> memref<1x1x1024x32xf32, #tpu.memory_space<hbm>>
        %dma_start3A_148 = tpu.memref_squeeze %dma_start3A_147 : memref<1x1x1024x32xf32, #tpu.memory_space<hbm>> -> memref<1024x32xf32, #tpu.memory_space<hbm>>
        %dma_start3A_149 = arith.constant 0 : i32
        %dma_start3A_150 = arith.constant 0 : i32
        %dma_start3A_151 = tpu.memref_slice %arg4[%add3A, %run_scoped3A, %dma_start3A_149, %dma_start3A_150] : memref<25x4x1024x32xf32, #tpu.memory_space<hbm>> -> memref<1x1x1024x32xf32, #tpu.memory_space<hbm>>
        %dma_start3A_152 = tpu.memref_squeeze %dma_start3A_151 : memref<1x1x1024x32xf32, #tpu.memory_space<hbm>> -> memref<1024x32xf32, #tpu.memory_space<hbm>>
        tpu.enqueue_dma source(%arg6 : memref<1024x32xf32, #tpu.memory_space<vmem>>) target(%dma_start3A_152 : memref<1024x32xf32, #tpu.memory_space<hbm>>) target_semaphore(%run_scoped3A_144 : memref<!tpu.dma_semaphore, #tpu.memory_space<semaphore_mem>>)
        %dma_wait3A_153 = arith.constant 0 : i32
        %dma_wait3A_154 = arith.constant 0 : i32
        %dma_wait3A_155 = tpu.memref_slice %arg4[%add3A, %run_scoped3A, %dma_wait3A_153, %dma_wait3A_154] : memref<25x4x1024x32xf32, #tpu.memory_space<hbm>> -> memref<1x1x1024x32xf32, #tpu.memory_space<hbm>>
        %dma_wait3A_156 = tpu.memref_squeeze %dma_wait3A_155 : memref<1x1x1024x32xf32, #tpu.memory_space<hbm>> -> memref<1024x32xf32, #tpu.memory_space<hbm>>
        %dma_wait3A_157 = arith.constant 0 : i32
        %dma_wait3A_158 = arith.constant 0 : i32
        %dma_wait3A_159 = tpu.memref_slice %arg4[%add3A, %run_scoped3A, %dma_wait3A_157, %dma_wait3A_158] : memref<25x4x1024x32xf32, #tpu.memory_space<hbm>> -> memref<1x1x1024x32xf32, #tpu.memory_space<hbm>>
        %dma_wait3A_160 = tpu.memref_squeeze %dma_wait3A_159 : memref<1x1x1024x32xf32, #tpu.memory_space<hbm>> -> memref<1024x32xf32, #tpu.memory_space<hbm>>
        tpu.wait_dma2 semaphore(%run_scoped3A_144 : memref<!tpu.dma_semaphore, #tpu.memory_space<semaphore_mem>>) src(%arg6 : memref<1024x32xf32, #tpu.memory_space<vmem>>) dst(%dma_wait3A_160 : memref<1024x32xf32, #tpu.memory_space<hbm>>)
        tpu.yield
      }) : () -> ()
    } else {
    }
    return
  }
}

module attributes {stable_mosaic.version = 14 : i64} {
  func.func @_emis_table_body(%arg0: memref<2000x32xf32, #tpu.memory_space<vmem>>, %arg1: memref<2000x32xf32, #tpu.memory_space<vmem>>) attributes {dimension_semantics = [], scalar_prefetch = 0 : i64, scratch_operands = 0 : i64, tpu.core_type = #tpu.core_type<tc>} {
    %get3A = arith.constant 0 : index
    %get3A_0 = arith.constant 0 : index
    %get3A_1 = vector.load %arg0[%get3A, %get3A_0] : memref<2000x32xf32, #tpu.memory_space<vmem>>, vector<2000x32xf32>
    %reduce_max3A = arith.constant dense<0xFF800000> : vector<32xf32>
    %reduce_max3A_2 = vector.multi_reduction <maximumf>, %get3A_1, %reduce_max3A [0] : vector<2000x32xf32> to vector<32xf32>
    %broadcast_in_dim3A = vector.shape_cast %reduce_max3A_2 : vector<32xf32> to vector<1x32xf32>
    %sub3A = vector.broadcast %broadcast_in_dim3A : vector<1x32xf32> to vector<2000x32xf32>
    %sub3A_3 = arith.subf %get3A_1, %sub3A : vector<2000x32xf32>
    %exp3A = math.exp %sub3A_3 : vector<2000x32xf32>
    %reduce_sum3A = arith.constant dense<0.000000e+00> : vector<32xf32>
    %reduce_sum3A_4 = vector.multi_reduction <add>, %exp3A, %reduce_sum3A [0] : vector<2000x32xf32> to vector<32xf32>
    %broadcast_in_dim3A_5 = vector.shape_cast %reduce_sum3A_4 : vector<32xf32> to vector<1x32xf32>
    %div3A = vector.broadcast %broadcast_in_dim3A_5 : vector<1x32xf32> to vector<2000x32xf32>
    %div3A_6 = arith.divf %exp3A, %div3A : vector<2000x32xf32>
    %swap3A = arith.constant 0 : index
    %swap3A_7 = arith.constant 0 : index
    %swap3A_8 = vector.load %arg1[%swap3A, %swap3A_7] : memref<2000x32xf32, #tpu.memory_space<vmem>>, vector<2000x32xf32>
    tpu.vector_store %arg1[%swap3A, %swap3A_7], %div3A_6 {strides = array<i32>} : memref<2000x32xf32, #tpu.memory_space<vmem>>, vector<2000x32xf32>,
    return
  }
}

module attributes {stable_mosaic.version = 14 : i64} {
  func.func @_upward_body(%arg0: i32, %arg1: memref<25x1024x128xf32, #tpu.memory_space<vmem>>, %arg2: memref<10x128x128xf32, #tpu.memory_space<vmem>>, %arg3: memref<10x128xf32, #tpu.memory_space<vmem>>, %arg4: memref<128x128xf32, #tpu.memory_space<vmem>>, %arg5: memref<25x1x128xf32, #tpu.memory_space<vmem>>) attributes {dimension_semantics = [#tpu.dimension_semantics<arbitrary>], iteration_bounds = array<i64: 1>, scalar_prefetch = 0 : i64, scratch_operands = 0 : i64, tpu.core_type = #tpu.core_type<tc>, window_params = [{transform_indices = @transform_0, window_bounds = array<i64: 25, 1024, 128>}, {pipeline_mode = #tpu.pipeline_mode<synchronous>, transform_indices = @transform_1, window_bounds = array<i64: 10, 128, 128>}, {pipeline_mode = #tpu.pipeline_mode<synchronous>, transform_indices = @transform_2, window_bounds = array<i64: 10, 128>}, {pipeline_mode = #tpu.pipeline_mode<synchronous>, transform_indices = @transform_3, window_bounds = array<i64: 128, 128>}, {transform_indices = @transform_4, window_bounds = array<i64: 25, 1, 128>}]} {
    %get3A = arith.constant 0 : index
    %get3A_0 = arith.constant 0 : index
    %get3A_1 = arith.constant 0 : index
    %get3A_2 = vector.load %arg1[%get3A, %get3A_0, %get3A_1] : memref<25x1024x128xf32, #tpu.memory_space<vmem>>, vector<25x1024x128xf32>
    %get3A_3 = arith.constant 0 : index
    %get3A_4 = arith.constant 0 : index
    %get3A_5 = vector.load %arg4[%get3A_3, %get3A_4] : memref<128x128xf32, #tpu.memory_space<vmem>>, vector<128x128xf32>
    %slice3A = vector.extract_strided_slice %get3A_2 {offsets = [0, 512, 0], sizes = [25, 512, 128], strides = [1, 1, 1]} : vector<25x1024x128xf32> to vector<25x512x128xf32>
    %get3A_6 = arith.constant 9 : index
    %get3A_7 = arith.constant 0 : index
    %get3A_8 = vector.load %arg3[%get3A_6, %get3A_7] : memref<10x128xf32, #tpu.memory_space<vmem>>, vector<1x128xf32>
    %get3A_9 = vector.shape_cast %get3A_8 : vector<1x128xf32> to vector<128xf32>
    %broadcast_in_dim3A = vector.shape_cast %get3A_9 : vector<128xf32> to vector<1x1x128xf32>
    %mul3A = vector.broadcast %broadcast_in_dim3A : vector<1x1x128xf32> to vector<25x512x128xf32>
    %mul3A_10 = arith.mulf %slice3A, %mul3A : vector<25x512x128xf32>
    %reshape3A = vector.shape_cast %mul3A_10 : vector<25x512x128xf32> to vector<12800x128xf32>
    %dot_general3A = arith.constant dense<0.000000e+00> : vector<12800x128xf32>
    %dot_general3A_11 = tpu.matmul %reshape3A, %get3A_5, %dot_general3A {dimension_numbers = #tpu.dot_dimension_numbers<[1], [0], [0], [1], [0, 0, 1, 1], [], []>, transpose_lhs_hint = false} : vector<12800x128xf32>, vector<128x128xf32>, vector<12800x128xf32> -> vector<12800x128xf32>
    %reshape3A_12 = vector.shape_cast %dot_general3A_11 : vector<12800x128xf32> to vector<25x512x128xf32>
    %bitcast_convert_type3A = tpu.bitcast %reshape3A_12 : vector<25x512x128xf32> -> vector<25x512x128xi32>
    %shift_right_arithmetic3A = arith.constant 23 : i32
    %shift_right_arithmetic3A_13 = vector.broadcast %shift_right_arithmetic3A : i32 to vector<25x512x128xi32>
    %shift_right_arithmetic3A_14 = arith.shrsi %bitcast_convert_type3A, %shift_right_arithmetic3A_13 : vector<25x512x128xi32>
    %sub3A = arith.constant 127 : i32
    %sub3A_15 = vector.broadcast %sub3A : i32 to vector<25x512x128xi32>
    %sub3A_16 = arith.subi %shift_right_arithmetic3A_14, %sub3A_15 : vector<25x512x128xi32>
    %sub3A_17 = arith.constant 127 : i32
    %sub3A_18 = vector.broadcast %sub3A_17 : i32 to vector<25x512x128xi32>
    %sub3A_19 = arith.subi %sub3A_18, %sub3A_16 : vector<25x512x128xi32>
    %shift_left3A = arith.constant 23 : i32
    %shift_left3A_20 = vector.broadcast %shift_left3A : i32 to vector<25x512x128xi32>
    %shift_left3A_21 = arith.shli %sub3A_19, %shift_left3A_20 : vector<25x512x128xi32>
    %bitcast_convert_type3A_22 = tpu.bitcast %shift_left3A_21 : vector<25x512x128xi32> -> vector<25x512x128xf32>
    %mul3A_23 = arith.mulf %mul3A_10, %bitcast_convert_type3A_22 : vector<25x512x128xf32>
    %reduce_sum3A = arith.constant dense<0> : vector<25x128xi32>
    %reduce_sum3A_24 = vector.multi_reduction <add>, %sub3A_16, %reduce_sum3A [1] : vector<25x512x128xi32> to vector<25x128xi32>
    %get3A_25 = arith.constant 9 : index
    %get3A_26 = arith.constant 0 : index
    %get3A_27 = arith.constant 0 : index
    %get3A_28 = vector.load %arg2[%get3A_25, %get3A_26, %get3A_27] : memref<10x128x128xf32, #tpu.memory_space<vmem>>, vector<1x128x128xf32>
    %get3A_29 = vector.shape_cast %get3A_28 : vector<1x128x128xf32> to vector<128x128xf32>
    %reshape3A_30 = vector.shape_cast %mul3A_23 : vector<25x512x128xf32> to vector<12800x128xf32>
    %dot_general3A_31 = arith.constant dense<0.000000e+00> : vector<12800x128xf32>
    %dot_general3A_32 = tpu.matmul %reshape3A_30, %get3A_29, %dot_general3A_31 {dimension_numbers = #tpu.dot_dimension_numbers<[1], [0], [0], [1], [0, 0, 1, 1], [], []>, transpose_lhs_hint = false} : vector<12800x128xf32>, vector<128x128xf32>, vector<12800x128xf32> -> vector<12800x128xf32>
    %reshape3A_33 = vector.shape_cast %dot_general3A_32 : vector<12800x128xf32> to vector<25x512x128xf32>
    %slice3A_34 = vector.extract_strided_slice %reshape3A_33 {offsets = [0, 0, 0], sizes = [25, 256, 128], strides = [1, 1, 1]} : vector<25x512x128xf32> to vector<25x256x128xf32>
    %slice3A_35 = vector.extract_strided_slice %reshape3A_33 {offsets = [0, 256, 0], sizes = [25, 256, 128], strides = [1, 1, 1]} : vector<25x512x128xf32> to vector<25x256x128xf32>
    %mul3A_36 = arith.mulf %slice3A_34, %slice3A_35 : vector<25x256x128xf32>
    %slice3A_37 = vector.extract_strided_slice %get3A_2 {offsets = [0, 256, 0], sizes = [25, 256, 128], strides = [1, 1, 1]} : vector<25x1024x128xf32> to vector<25x256x128xf32>
    %get3A_38 = arith.constant 8 : index
    %get3A_39 = arith.constant 0 : index
    %get3A_40 = vector.load %arg3[%get3A_38, %get3A_39] : memref<10x128xf32, #tpu.memory_space<vmem>>, vector<1x128xf32>
    %get3A_41 = vector.shape_cast %get3A_40 : vector<1x128xf32> to vector<128xf32>
    %broadcast_in_dim3A_42 = vector.shape_cast %get3A_41 : vector<128xf32> to vector<1x1x128xf32>
    %mul3A_43 = vector.broadcast %broadcast_in_dim3A_42 : vector<1x1x128xf32> to vector<25x256x128xf32>
    %mul3A_44 = arith.mulf %slice3A_37, %mul3A_43 : vector<25x256x128xf32>
    %mul3A_45 = arith.mulf %mul3A_44, %mul3A_44 : vector<25x256x128xf32>
    %mul3A_46 = arith.mulf %mul3A_45, %mul3A_36 : vector<25x256x128xf32>
    %reshape3A_47 = vector.shape_cast %mul3A_46 : vector<25x256x128xf32> to vector<6400x128xf32>
    %dot_general3A_48 = arith.constant dense<0.000000e+00> : vector<6400x128xf32>
    %dot_general3A_49 = tpu.matmul %reshape3A_47, %get3A_5, %dot_general3A_48 {dimension_numbers = #tpu.dot_dimension_numbers<[1], [0], [0], [1], [0, 0, 1, 1], [], []>, transpose_lhs_hint = false} : vector<6400x128xf32>, vector<128x128xf32>, vector<6400x128xf32> -> vector<6400x128xf32>
    %reshape3A_50 = vector.shape_cast %dot_general3A_49 : vector<6400x128xf32> to vector<25x256x128xf32>
    %bitcast_convert_type3A_51 = tpu.bitcast %reshape3A_50 : vector<25x256x128xf32> -> vector<25x256x128xi32>
    %shift_right_arithmetic3A_52 = arith.constant 23 : i32
    %shift_right_arithmetic3A_53 = vector.broadcast %shift_right_arithmetic3A_52 : i32 to vector<25x256x128xi32>
    %shift_right_arithmetic3A_54 = arith.shrsi %bitcast_convert_type3A_51, %shift_right_arithmetic3A_53 : vector<25x256x128xi32>
    %sub3A_55 = arith.constant 127 : i32
    %sub3A_56 = vector.broadcast %sub3A_55 : i32 to vector<25x256x128xi32>
    %sub3A_57 = arith.subi %shift_right_arithmetic3A_54, %sub3A_56 : vector<25x256x128xi32>
    %sub3A_58 = arith.constant 127 : i32
    %sub3A_59 = vector.broadcast %sub3A_58 : i32 to vector<25x256x128xi32>
    %sub3A_60 = arith.subi %sub3A_59, %sub3A_57 : vector<25x256x128xi32>
    %shift_left3A_61 = arith.constant 23 : i32
    %shift_left3A_62 = vector.broadcast %shift_left3A_61 : i32 to vector<25x256x128xi32>
    %shift_left3A_63 = arith.shli %sub3A_60, %shift_left3A_62 : vector<25x256x128xi32>
    %bitcast_convert_type3A_64 = tpu.bitcast %shift_left3A_63 : vector<25x256x128xi32> -> vector<25x256x128xf32>
    %mul3A_65 = arith.mulf %mul3A_46, %bitcast_convert_type3A_64 : vector<25x256x128xf32>
    %reduce_sum3A_66 = arith.constant dense<0> : vector<25x128xi32>
    %reduce_sum3A_67 = vector.multi_reduction <add>, %sub3A_57, %reduce_sum3A_66 [1] : vector<25x256x128xi32> to vector<25x128xi32>
    %add3A = arith.addi %reduce_sum3A_24, %reduce_sum3A_67 : vector<25x128xi32>
    %get3A_68 = arith.constant 8 : index
    %get3A_69 = arith.constant 0 : index
    %get3A_70 = arith.constant 0 : index
    %get3A_71 = vector.load %arg2[%get3A_68, %get3A_69, %get3A_70] : memref<10x128x128xf32, #tpu.memory_space<vmem>>, vector<1x128x128xf32>
    %get3A_72 = vector.shape_cast %get3A_71 : vector<1x128x128xf32> to vector<128x128xf32>
    %reshape3A_73 = vector.shape_cast %mul3A_65 : vector<25x256x128xf32> to vector<6400x128xf32>
    %dot_general3A_74 = arith.constant dense<0.000000e+00> : vector<6400x128xf32>
    %dot_general3A_75 = tpu.matmul %reshape3A_73, %get3A_72, %dot_general3A_74 {dimension_numbers = #tpu.dot_dimension_numbers<[1], [0], [0], [1], [0, 0, 1, 1], [], []>, transpose_lhs_hint = false} : vector<6400x128xf32>, vector<128x128xf32>, vector<6400x128xf32> -> vector<6400x128xf32>
    %reshape3A_76 = vector.shape_cast %dot_general3A_75 : vector<6400x128xf32> to vector<25x256x128xf32>
    %slice3A_77 = vector.extract_strided_slice %reshape3A_76 {offsets = [0, 0, 0], sizes = [25, 128, 128], strides = [1, 1, 1]} : vector<25x256x128xf32> to vector<25x128x128xf32>
    %slice3A_78 = vector.extract_strided_slice %reshape3A_76 {offsets = [0, 128, 0], sizes = [25, 128, 128], strides = [1, 1, 1]} : vector<25x256x128xf32> to vector<25x128x128xf32>
    %mul3A_79 = arith.mulf %slice3A_77, %slice3A_78 : vector<25x128x128xf32>
    %slice3A_80 = vector.extract_strided_slice %get3A_2 {offsets = [0, 128, 0], sizes = [25, 128, 128], strides = [1, 1, 1]} : vector<25x1024x128xf32> to vector<25x128x128xf32>
    %get3A_81 = arith.constant 7 : index
    %get3A_82 = arith.constant 0 : index
    %get3A_83 = vector.load %arg3[%get3A_81, %get3A_82] : memref<10x128xf32, #tpu.memory_space<vmem>>, vector<1x128xf32>
    %get3A_84 = vector.shape_cast %get3A_83 : vector<1x128xf32> to vector<128xf32>
    %broadcast_in_dim3A_85 = vector.shape_cast %get3A_84 : vector<128xf32> to vector<1x1x128xf32>
    %mul3A_86 = vector.broadcast %broadcast_in_dim3A_85 : vector<1x1x128xf32> to vector<25x128x128xf32>
    %mul3A_87 = arith.mulf %slice3A_80, %mul3A_86 : vector<25x128x128xf32>
    %mul3A_88 = arith.mulf %mul3A_87, %mul3A_87 : vector<25x128x128xf32>
    %mul3A_89 = arith.mulf %mul3A_88, %mul3A_79 : vector<25x128x128xf32>
    %reshape3A_90 = vector.shape_cast %mul3A_89 : vector<25x128x128xf32> to vector<3200x128xf32>
    %dot_general3A_91 = arith.constant dense<0.000000e+00> : vector<3200x128xf32>
    %dot_general3A_92 = tpu.matmul %reshape3A_90, %get3A_5, %dot_general3A_91 {dimension_numbers = #tpu.dot_dimension_numbers<[1], [0], [0], [1], [0, 0, 1, 1], [], []>, transpose_lhs_hint = false} : vector<3200x128xf32>, vector<128x128xf32>, vector<3200x128xf32> -> vector<3200x128xf32>
    %reshape3A_93 = vector.shape_cast %dot_general3A_92 : vector<3200x128xf32> to vector<25x128x128xf32>
    %bitcast_convert_type3A_94 = tpu.bitcast %reshape3A_93 : vector<25x128x128xf32> -> vector<25x128x128xi32>
    %shift_right_arithmetic3A_95 = arith.constant 23 : i32
    %shift_right_arithmetic3A_96 = vector.broadcast %shift_right_arithmetic3A_95 : i32 to vector<25x128x128xi32>
    %shift_right_arithmetic3A_97 = arith.shrsi %bitcast_convert_type3A_94, %shift_right_arithmetic3A_96 : vector<25x128x128xi32>
    %sub3A_98 = arith.constant 127 : i32
    %sub3A_99 = vector.broadcast %sub3A_98 : i32 to vector<25x128x128xi32>
    %sub3A_100 = arith.subi %shift_right_arithmetic3A_97, %sub3A_99 : vector<25x128x128xi32>
    %sub3A_101 = arith.constant 127 : i32
    %sub3A_102 = vector.broadcast %sub3A_101 : i32 to vector<25x128x128xi32>
    %sub3A_103 = arith.subi %sub3A_102, %sub3A_100 : vector<25x128x128xi32>
    %shift_left3A_104 = arith.constant 23 : i32
    %shift_left3A_105 = vector.broadcast %shift_left3A_104 : i32 to vector<25x128x128xi32>
    %shift_left3A_106 = arith.shli %sub3A_103, %shift_left3A_105 : vector<25x128x128xi32>
    %bitcast_convert_type3A_107 = tpu.bitcast %shift_left3A_106 : vector<25x128x128xi32> -> vector<25x128x128xf32>
    %mul3A_108 = arith.mulf %mul3A_89, %bitcast_convert_type3A_107 : vector<25x128x128xf32>
    %reduce_sum3A_109 = arith.constant dense<0> : vector<25x128xi32>
    %reduce_sum3A_110 = vector.multi_reduction <add>, %sub3A_100, %reduce_sum3A_109 [1] : vector<25x128x128xi32> to vector<25x128xi32>
    %add3A_111 = arith.addi %add3A, %reduce_sum3A_110 : vector<25x128xi32>
    %get3A_112 = arith.constant 7 : index
    %get3A_113 = arith.constant 0 : index
    %get3A_114 = arith.constant 0 : index
    %get3A_115 = vector.load %arg2[%get3A_112, %get3A_113, %get3A_114] : memref<10x128x128xf32, #tpu.memory_space<vmem>>, vector<1x128x128xf32>
    %get3A_116 = vector.shape_cast %get3A_115 : vector<1x128x128xf32> to vector<128x128xf32>
    %reshape3A_117 = vector.shape_cast %mul3A_108 : vector<25x128x128xf32> to vector<3200x128xf32>
    %dot_general3A_118 = arith.constant dense<0.000000e+00> : vector<3200x128xf32>
    %dot_general3A_119 = tpu.matmul %reshape3A_117, %get3A_116, %dot_general3A_118 {dimension_numbers = #tpu.dot_dimension_numbers<[1], [0], [0], [1], [0, 0, 1, 1], [], []>, transpose_lhs_hint = false} : vector<3200x128xf32>, vector<128x128xf32>, vector<3200x128xf32> -> vector<3200x128xf32>
    %reshape3A_120 = vector.shape_cast %dot_general3A_119 : vector<3200x128xf32> to vector<25x128x128xf32>
    %slice3A_121 = vector.extract_strided_slice %reshape3A_120 {offsets = [0, 0, 0], sizes = [25, 64, 128], strides = [1, 1, 1]} : vector<25x128x128xf32> to vector<25x64x128xf32>
    %slice3A_122 = vector.extract_strided_slice %reshape3A_120 {offsets = [0, 64, 0], sizes = [25, 64, 128], strides = [1, 1, 1]} : vector<25x128x128xf32> to vector<25x64x128xf32>
    %mul3A_123 = arith.mulf %slice3A_121, %slice3A_122 : vector<25x64x128xf32>
    %slice3A_124 = vector.extract_strided_slice %get3A_2 {offsets = [0, 64, 0], sizes = [25, 64, 128], strides = [1, 1, 1]} : vector<25x1024x128xf32> to vector<25x64x128xf32>
    %get3A_125 = arith.constant 6 : index
    %get3A_126 = arith.constant 0 : index
    %get3A_127 = vector.load %arg3[%get3A_125, %get3A_126] : memref<10x128xf32, #tpu.memory_space<vmem>>, vector<1x128xf32>
    %get3A_128 = vector.shape_cast %get3A_127 : vector<1x128xf32> to vector<128xf32>
    %broadcast_in_dim3A_129 = vector.shape_cast %get3A_128 : vector<128xf32> to vector<1x1x128xf32>
    %mul3A_130 = vector.broadcast %broadcast_in_dim3A_129 : vector<1x1x128xf32> to vector<25x64x128xf32>
    %mul3A_131 = arith.mulf %slice3A_124, %mul3A_130 : vector<25x64x128xf32>
    %mul3A_132 = arith.mulf %mul3A_131, %mul3A_131 : vector<25x64x128xf32>
    %mul3A_133 = arith.mulf %mul3A_132, %mul3A_123 : vector<25x64x128xf32>
    %reshape3A_134 = vector.shape_cast %mul3A_133 : vector<25x64x128xf32> to vector<1600x128xf32>
    %dot_general3A_135 = arith.constant dense<0.000000e+00> : vector<1600x128xf32>
    %dot_general3A_136 = tpu.matmul %reshape3A_134, %get3A_5, %dot_general3A_135 {dimension_numbers = #tpu.dot_dimension_numbers<[1], [0], [0], [1], [0, 0, 1, 1], [], []>, transpose_lhs_hint = false} : vector<1600x128xf32>, vector<128x128xf32>, vector<1600x128xf32> -> vector<1600x128xf32>
    %reshape3A_137 = vector.shape_cast %dot_general3A_136 : vector<1600x128xf32> to vector<25x64x128xf32>
    %bitcast_convert_type3A_138 = tpu.bitcast %reshape3A_137 : vector<25x64x128xf32> -> vector<25x64x128xi32>
    %shift_right_arithmetic3A_139 = arith.constant 23 : i32
    %shift_right_arithmetic3A_140 = vector.broadcast %shift_right_arithmetic3A_139 : i32 to vector<25x64x128xi32>
    %shift_right_arithmetic3A_141 = arith.shrsi %bitcast_convert_type3A_138, %shift_right_arithmetic3A_140 : vector<25x64x128xi32>
    %sub3A_142 = arith.constant 127 : i32
    %sub3A_143 = vector.broadcast %sub3A_142 : i32 to vector<25x64x128xi32>
    %sub3A_144 = arith.subi %shift_right_arithmetic3A_141, %sub3A_143 : vector<25x64x128xi32>
    %sub3A_145 = arith.constant 127 : i32
    %sub3A_146 = vector.broadcast %sub3A_145 : i32 to vector<25x64x128xi32>
    %sub3A_147 = arith.subi %sub3A_146, %sub3A_144 : vector<25x64x128xi32>
    %shift_left3A_148 = arith.constant 23 : i32
    %shift_left3A_149 = vector.broadcast %shift_left3A_148 : i32 to vector<25x64x128xi32>
    %shift_left3A_150 = arith.shli %sub3A_147, %shift_left3A_149 : vector<25x64x128xi32>
    %bitcast_convert_type3A_151 = tpu.bitcast %shift_left3A_150 : vector<25x64x128xi32> -> vector<25x64x128xf32>
    %mul3A_152 = arith.mulf %mul3A_133, %bitcast_convert_type3A_151 : vector<25x64x128xf32>
    %reduce_sum3A_153 = arith.constant dense<0> : vector<25x128xi32>
    %reduce_sum3A_154 = vector.multi_reduction <add>, %sub3A_144, %reduce_sum3A_153 [1] : vector<25x64x128xi32> to vector<25x128xi32>
    %add3A_155 = arith.addi %add3A_111, %reduce_sum3A_154 : vector<25x128xi32>
    %get3A_156 = arith.constant 6 : index
    %get3A_157 = arith.constant 0 : index
    %get3A_158 = arith.constant 0 : index
    %get3A_159 = vector.load %arg2[%get3A_156, %get3A_157, %get3A_158] : memref<10x128x128xf32, #tpu.memory_space<vmem>>, vector<1x128x128xf32>
    %get3A_160 = vector.shape_cast %get3A_159 : vector<1x128x128xf32> to vector<128x128xf32>
    %reshape3A_161 = vector.shape_cast %mul3A_152 : vector<25x64x128xf32> to vector<1600x128xf32>
    %dot_general3A_162 = arith.constant dense<0.000000e+00> : vector<1600x128xf32>
    %dot_general3A_163 = tpu.matmul %reshape3A_161, %get3A_160, %dot_general3A_162 {dimension_numbers = #tpu.dot_dimension_numbers<[1], [0], [0], [1], [0, 0, 1, 1], [], []>, transpose_lhs_hint = false} : vector<1600x128xf32>, vector<128x128xf32>, vector<1600x128xf32> -> vector<1600x128xf32>
    %reshape3A_164 = vector.shape_cast %dot_general3A_163 : vector<1600x128xf32> to vector<25x64x128xf32>
    %slice3A_165 = vector.extract_strided_slice %reshape3A_164 {offsets = [0, 0, 0], sizes = [25, 32, 128], strides = [1, 1, 1]} : vector<25x64x128xf32> to vector<25x32x128xf32>
    %slice3A_166 = vector.extract_strided_slice %reshape3A_164 {offsets = [0, 32, 0], sizes = [25, 32, 128], strides = [1, 1, 1]} : vector<25x64x128xf32> to vector<25x32x128xf32>
    %mul3A_167 = arith.mulf %slice3A_165, %slice3A_166 : vector<25x32x128xf32>
    %slice3A_168 = vector.extract_strided_slice %get3A_2 {offsets = [0, 32, 0], sizes = [25, 32, 128], strides = [1, 1, 1]} : vector<25x1024x128xf32> to vector<25x32x128xf32>
    %get3A_169 = arith.constant 5 : index
    %get3A_170 = arith.constant 0 : index
    %get3A_171 = vector.load %arg3[%get3A_169, %get3A_170] : memref<10x128xf32, #tpu.memory_space<vmem>>, vector<1x128xf32>
    %get3A_172 = vector.shape_cast %get3A_171 : vector<1x128xf32> to vector<128xf32>
    %broadcast_in_dim3A_173 = vector.shape_cast %get3A_172 : vector<128xf32> to vector<1x1x128xf32>
    %mul3A_174 = vector.broadcast %broadcast_in_dim3A_173 : vector<1x1x128xf32> to vector<25x32x128xf32>
    %mul3A_175 = arith.mulf %slice3A_168, %mul3A_174 : vector<25x32x128xf32>
    %mul3A_176 = arith.mulf %mul3A_175, %mul3A_175 : vector<25x32x128xf32>
    %mul3A_177 = arith.mulf %mul3A_176, %mul3A_167 : vector<25x32x128xf32>
    %reshape3A_178 = vector.shape_cast %mul3A_177 : vector<25x32x128xf32> to vector<800x128xf32>
    %dot_general3A_179 = arith.constant dense<0.000000e+00> : vector<800x128xf32>
    %dot_general3A_180 = tpu.matmul %reshape3A_178, %get3A_5, %dot_general3A_179 {dimension_numbers = #tpu.dot_dimension_numbers<[1], [0], [0], [1], [0, 0, 1, 1], [], []>, transpose_lhs_hint = false} : vector<800x128xf32>, vector<128x128xf32>, vector<800x128xf32> -> vector<800x128xf32>
    %reshape3A_181 = vector.shape_cast %dot_general3A_180 : vector<800x128xf32> to vector<25x32x128xf32>
    %bitcast_convert_type3A_182 = tpu.bitcast %reshape3A_181 : vector<25x32x128xf32> -> vector<25x32x128xi32>
    %shift_right_arithmetic3A_183 = arith.constant 23 : i32
    %shift_right_arithmetic3A_184 = vector.broadcast %shift_right_arithmetic3A_183 : i32 to vector<25x32x128xi32>
    %shift_right_arithmetic3A_185 = arith.shrsi %bitcast_convert_type3A_182, %shift_right_arithmetic3A_184 : vector<25x32x128xi32>
    %sub3A_186 = arith.constant 127 : i32
    %sub3A_187 = vector.broadcast %sub3A_186 : i32 to vector<25x32x128xi32>
    %sub3A_188 = arith.subi %shift_right_arithmetic3A_185, %sub3A_187 : vector<25x32x128xi32>
    %sub3A_189 = arith.constant 127 : i32
    %sub3A_190 = vector.broadcast %sub3A_189 : i32 to vector<25x32x128xi32>
    %sub3A_191 = arith.subi %sub3A_190, %sub3A_188 : vector<25x32x128xi32>
    %shift_left3A_192 = arith.constant 23 : i32
    %shift_left3A_193 = vector.broadcast %shift_left3A_192 : i32 to vector<25x32x128xi32>
    %shift_left3A_194 = arith.shli %sub3A_191, %shift_left3A_193 : vector<25x32x128xi32>
    %bitcast_convert_type3A_195 = tpu.bitcast %shift_left3A_194 : vector<25x32x128xi32> -> vector<25x32x128xf32>
    %mul3A_196 = arith.mulf %mul3A_177, %bitcast_convert_type3A_195 : vector<25x32x128xf32>
    %reduce_sum3A_197 = arith.constant dense<0> : vector<25x128xi32>
    %reduce_sum3A_198 = vector.multi_reduction <add>, %sub3A_188, %reduce_sum3A_197 [1] : vector<25x32x128xi32> to vector<25x128xi32>
    %add3A_199 = arith.addi %add3A_155, %reduce_sum3A_198 : vector<25x128xi32>
    %get3A_200 = arith.constant 5 : index
    %get3A_201 = arith.constant 0 : index
    %get3A_202 = arith.constant 0 : index
    %get3A_203 = vector.load %arg2[%get3A_200, %get3A_201, %get3A_202] : memref<10x128x128xf32, #tpu.memory_space<vmem>>, vector<1x128x128xf32>
    %get3A_204 = vector.shape_cast %get3A_203 : vector<1x128x128xf32> to vector<128x128xf32>
    %reshape3A_205 = vector.shape_cast %mul3A_196 : vector<25x32x128xf32> to vector<800x128xf32>
    %dot_general3A_206 = arith.constant dense<0.000000e+00> : vector<800x128xf32>
    %dot_general3A_207 = tpu.matmul %reshape3A_205, %get3A_204, %dot_general3A_206 {dimension_numbers = #tpu.dot_dimension_numbers<[1], [0], [0], [1], [0, 0, 1, 1], [], []>, transpose_lhs_hint = false} : vector<800x128xf32>, vector<128x128xf32>, vector<800x128xf32> -> vector<800x128xf32>
    %reshape3A_208 = vector.shape_cast %dot_general3A_207 : vector<800x128xf32> to vector<25x32x128xf32>
    %slice3A_209 = vector.extract_strided_slice %reshape3A_208 {offsets = [0, 0, 0], sizes = [25, 16, 128], strides = [1, 1, 1]} : vector<25x32x128xf32> to vector<25x16x128xf32>
    %slice3A_210 = vector.extract_strided_slice %reshape3A_208 {offsets = [0, 16, 0], sizes = [25, 16, 128], strides = [1, 1, 1]} : vector<25x32x128xf32> to vector<25x16x128xf32>
    %mul3A_211 = arith.mulf %slice3A_209, %slice3A_210 : vector<25x16x128xf32>
    %slice3A_212 = vector.extract_strided_slice %get3A_2 {offsets = [0, 16, 0], sizes = [25, 16, 128], strides = [1, 1, 1]} : vector<25x1024x128xf32> to vector<25x16x128xf32>
    %get3A_213 = arith.constant 4 : index
    %get3A_214 = arith.constant 0 : index
    %get3A_215 = vector.load %arg3[%get3A_213, %get3A_214] : memref<10x128xf32, #tpu.memory_space<vmem>>, vector<1x128xf32>
    %get3A_216 = vector.shape_cast %get3A_215 : vector<1x128xf32> to vector<128xf32>
    %broadcast_in_dim3A_217 = vector.shape_cast %get3A_216 : vector<128xf32> to vector<1x1x128xf32>
    %mul3A_218 = vector.broadcast %broadcast_in_dim3A_217 : vector<1x1x128xf32> to vector<25x16x128xf32>
    %mul3A_219 = arith.mulf %slice3A_212, %mul3A_218 : vector<25x16x128xf32>
    %mul3A_220 = arith.mulf %mul3A_219, %mul3A_219 : vector<25x16x128xf32>
    %mul3A_221 = arith.mulf %mul3A_220, %mul3A_211 : vector<25x16x128xf32>
    %reshape3A_222 = vector.shape_cast %mul3A_221 : vector<25x16x128xf32> to vector<400x128xf32>
    %dot_general3A_223 = arith.constant dense<0.000000e+00> : vector<400x128xf32>
    %dot_general3A_224 = tpu.matmul %reshape3A_222, %get3A_5, %dot_general3A_223 {dimension_numbers = #tpu.dot_dimension_numbers<[1], [0], [0], [1], [0, 0, 1, 1], [], []>, transpose_lhs_hint = false} : vector<400x128xf32>, vector<128x128xf32>, vector<400x128xf32> -> vector<400x128xf32>
    %reshape3A_225 = vector.shape_cast %dot_general3A_224 : vector<400x128xf32> to vector<25x16x128xf32>
    %bitcast_convert_type3A_226 = tpu.bitcast %reshape3A_225 : vector<25x16x128xf32> -> vector<25x16x128xi32>
    %shift_right_arithmetic3A_227 = arith.constant 23 : i32
    %shift_right_arithmetic3A_228 = vector.broadcast %shift_right_arithmetic3A_227 : i32 to vector<25x16x128xi32>
    %shift_right_arithmetic3A_229 = arith.shrsi %bitcast_convert_type3A_226, %shift_right_arithmetic3A_228 : vector<25x16x128xi32>
    %sub3A_230 = arith.constant 127 : i32
    %sub3A_231 = vector.broadcast %sub3A_230 : i32 to vector<25x16x128xi32>
    %sub3A_232 = arith.subi %shift_right_arithmetic3A_229, %sub3A_231 : vector<25x16x128xi32>
    %sub3A_233 = arith.constant 127 : i32
    %sub3A_234 = vector.broadcast %sub3A_233 : i32 to vector<25x16x128xi32>
    %sub3A_235 = arith.subi %sub3A_234, %sub3A_232 : vector<25x16x128xi32>
    %shift_left3A_236 = arith.constant 23 : i32
    %shift_left3A_237 = vector.broadcast %shift_left3A_236 : i32 to vector<25x16x128xi32>
    %shift_left3A_238 = arith.shli %sub3A_235, %shift_left3A_237 : vector<25x16x128xi32>
    %bitcast_convert_type3A_239 = tpu.bitcast %shift_left3A_238 : vector<25x16x128xi32> -> vector<25x16x128xf32>
    %mul3A_240 = arith.mulf %mul3A_221, %bitcast_convert_type3A_239 : vector<25x16x128xf32>
    %reduce_sum3A_241 = arith.constant dense<0> : vector<25x128xi32>
    %reduce_sum3A_242 = vector.multi_reduction <add>, %sub3A_232, %reduce_sum3A_241 [1] : vector<25x16x128xi32> to vector<25x128xi32>
    %add3A_243 = arith.addi %add3A_199, %reduce_sum3A_242 : vector<25x128xi32>
    %get3A_244 = arith.constant 4 : index
    %get3A_245 = arith.constant 0 : index
    %get3A_246 = arith.constant 0 : index
    %get3A_247 = vector.load %arg2[%get3A_244, %get3A_245, %get3A_246] : memref<10x128x128xf32, #tpu.memory_space<vmem>>, vector<1x128x128xf32>
    %get3A_248 = vector.shape_cast %get3A_247 : vector<1x128x128xf32> to vector<128x128xf32>
    %reshape3A_249 = vector.shape_cast %mul3A_240 : vector<25x16x128xf32> to vector<400x128xf32>
    %dot_general3A_250 = arith.constant dense<0.000000e+00> : vector<400x128xf32>
    %dot_general3A_251 = tpu.matmul %reshape3A_249, %get3A_248, %dot_general3A_250 {dimension_numbers = #tpu.dot_dimension_numbers<[1], [0], [0], [1], [0, 0, 1, 1], [], []>, transpose_lhs_hint = false} : vector<400x128xf32>, vector<128x128xf32>, vector<400x128xf32> -> vector<400x128xf32>
    %reshape3A_252 = vector.shape_cast %dot_general3A_251 : vector<400x128xf32> to vector<25x16x128xf32>
    %slice3A_253 = vector.extract_strided_slice %reshape3A_252 {offsets = [0, 0, 0], sizes = [25, 8, 128], strides = [1, 1, 1]} : vector<25x16x128xf32> to vector<25x8x128xf32>
    %slice3A_254 = vector.extract_strided_slice %reshape3A_252 {offsets = [0, 8, 0], sizes = [25, 8, 128], strides = [1, 1, 1]} : vector<25x16x128xf32> to vector<25x8x128xf32>
    %mul3A_255 = arith.mulf %slice3A_253, %slice3A_254 : vector<25x8x128xf32>
    %slice3A_256 = vector.extract_strided_slice %get3A_2 {offsets = [0, 8, 0], sizes = [25, 8, 128], strides = [1, 1, 1]} : vector<25x1024x128xf32> to vector<25x8x128xf32>
    %get3A_257 = arith.constant 3 : index
    %get3A_258 = arith.constant 0 : index
    %get3A_259 = vector.load %arg3[%get3A_257, %get3A_258] : memref<10x128xf32, #tpu.memory_space<vmem>>, vector<1x128xf32>
    %get3A_260 = vector.shape_cast %get3A_259 : vector<1x128xf32> to vector<128xf32>
    %broadcast_in_dim3A_261 = vector.shape_cast %get3A_260 : vector<128xf32> to vector<1x1x128xf32>
    %mul3A_262 = vector.broadcast %broadcast_in_dim3A_261 : vector<1x1x128xf32> to vector<25x8x128xf32>
    %mul3A_263 = arith.mulf %slice3A_256, %mul3A_262 : vector<25x8x128xf32>
    %mul3A_264 = arith.mulf %mul3A_263, %mul3A_263 : vector<25x8x128xf32>
    %mul3A_265 = arith.mulf %mul3A_264, %mul3A_255 : vector<25x8x128xf32>
    %reshape3A_266 = vector.shape_cast %mul3A_265 : vector<25x8x128xf32> to vector<200x128xf32>
    %dot_general3A_267 = arith.constant dense<0.000000e+00> : vector<200x128xf32>
    %dot_general3A_268 = tpu.matmul %reshape3A_266, %get3A_5, %dot_general3A_267 {dimension_numbers = #tpu.dot_dimension_numbers<[1], [0], [0], [1], [0, 0, 1, 1], [], []>, transpose_lhs_hint = false} : vector<200x128xf32>, vector<128x128xf32>, vector<200x128xf32> -> vector<200x128xf32>
    %reshape3A_269 = vector.shape_cast %dot_general3A_268 : vector<200x128xf32> to vector<25x8x128xf32>
    %bitcast_convert_type3A_270 = tpu.bitcast %reshape3A_269 : vector<25x8x128xf32> -> vector<25x8x128xi32>
    %shift_right_arithmetic3A_271 = arith.constant 23 : i32
    %shift_right_arithmetic3A_272 = vector.broadcast %shift_right_arithmetic3A_271 : i32 to vector<25x8x128xi32>
    %shift_right_arithmetic3A_273 = arith.shrsi %bitcast_convert_type3A_270, %shift_right_arithmetic3A_272 : vector<25x8x128xi32>
    %sub3A_274 = arith.constant 127 : i32
    %sub3A_275 = vector.broadcast %sub3A_274 : i32 to vector<25x8x128xi32>
    %sub3A_276 = arith.subi %shift_right_arithmetic3A_273, %sub3A_275 : vector<25x8x128xi32>
    %sub3A_277 = arith.constant 127 : i32
    %sub3A_278 = vector.broadcast %sub3A_277 : i32 to vector<25x8x128xi32>
    %sub3A_279 = arith.subi %sub3A_278, %sub3A_276 : vector<25x8x128xi32>
    %shift_left3A_280 = arith.constant 23 : i32
    %shift_left3A_281 = vector.broadcast %shift_left3A_280 : i32 to vector<25x8x128xi32>
    %shift_left3A_282 = arith.shli %sub3A_279, %shift_left3A_281 : vector<25x8x128xi32>
    %bitcast_convert_type3A_283 = tpu.bitcast %shift_left3A_282 : vector<25x8x128xi32> -> vector<25x8x128xf32>
    %mul3A_284 = arith.mulf %mul3A_265, %bitcast_convert_type3A_283 : vector<25x8x128xf32>
    %reduce_sum3A_285 = arith.constant dense<0> : vector<25x128xi32>
    %reduce_sum3A_286 = vector.multi_reduction <add>, %sub3A_276, %reduce_sum3A_285 [1] : vector<25x8x128xi32> to vector<25x128xi32>
    %add3A_287 = arith.addi %add3A_243, %reduce_sum3A_286 : vector<25x128xi32>
    %get3A_288 = arith.constant 3 : index
    %get3A_289 = arith.constant 0 : index
    %get3A_290 = arith.constant 0 : index
    %get3A_291 = vector.load %arg2[%get3A_288, %get3A_289, %get3A_290] : memref<10x128x128xf32, #tpu.memory_space<vmem>>, vector<1x128x128xf32>
    %get3A_292 = vector.shape_cast %get3A_291 : vector<1x128x128xf32> to vector<128x128xf32>
    %reshape3A_293 = vector.shape_cast %mul3A_284 : vector<25x8x128xf32> to vector<200x128xf32>
    %dot_general3A_294 = arith.constant dense<0.000000e+00> : vector<200x128xf32>
    %dot_general3A_295 = tpu.matmul %reshape3A_293, %get3A_292, %dot_general3A_294 {dimension_numbers = #tpu.dot_dimension_numbers<[1], [0], [0], [1], [0, 0, 1, 1], [], []>, transpose_lhs_hint = false} : vector<200x128xf32>, vector<128x128xf32>, vector<200x128xf32> -> vector<200x128xf32>
    %reshape3A_296 = vector.shape_cast %dot_general3A_295 : vector<200x128xf32> to vector<25x8x128xf32>
    %slice3A_297 = vector.extract_strided_slice %reshape3A_296 {offsets = [0, 0, 0], sizes = [25, 4, 128], strides = [1, 1, 1]} : vector<25x8x128xf32> to vector<25x4x128xf32>
    %slice3A_298 = vector.extract_strided_slice %reshape3A_296 {offsets = [0, 4, 0], sizes = [25, 4, 128], strides = [1, 1, 1]} : vector<25x8x128xf32> to vector<25x4x128xf32>
    %mul3A_299 = arith.mulf %slice3A_297, %slice3A_298 : vector<25x4x128xf32>
    %slice3A_300 = vector.extract_strided_slice %get3A_2 {offsets = [0, 4, 0], sizes = [25, 4, 128], strides = [1, 1, 1]} : vector<25x1024x128xf32> to vector<25x4x128xf32>
    %get3A_301 = arith.constant 2 : index
    %get3A_302 = arith.constant 0 : index
    %get3A_303 = vector.load %arg3[%get3A_301, %get3A_302] : memref<10x128xf32, #tpu.memory_space<vmem>>, vector<1x128xf32>
    %get3A_304 = vector.shape_cast %get3A_303 : vector<1x128xf32> to vector<128xf32>
    %broadcast_in_dim3A_305 = vector.shape_cast %get3A_304 : vector<128xf32> to vector<1x1x128xf32>
    %mul3A_306 = vector.broadcast %broadcast_in_dim3A_305 : vector<1x1x128xf32> to vector<25x4x128xf32>
    %mul3A_307 = arith.mulf %slice3A_300, %mul3A_306 : vector<25x4x128xf32>
    %mul3A_308 = arith.mulf %mul3A_307, %mul3A_307 : vector<25x4x128xf32>
    %mul3A_309 = arith.mulf %mul3A_308, %mul3A_299 : vector<25x4x128xf32>
    %reshape3A_310 = vector.shape_cast %mul3A_309 : vector<25x4x128xf32> to vector<100x128xf32>
    %dot_general3A_311 = arith.constant dense<0.000000e+00> : vector<100x128xf32>
    %dot_general3A_312 = tpu.matmul %reshape3A_310, %get3A_5, %dot_general3A_311 {dimension_numbers = #tpu.dot_dimension_numbers<[1], [0], [0], [1], [0, 0, 1, 1], [], []>, transpose_lhs_hint = false} : vector<100x128xf32>, vector<128x128xf32>, vector<100x128xf32> -> vector<100x128xf32>
    %reshape3A_313 = vector.shape_cast %dot_general3A_312 : vector<100x128xf32> to vector<25x4x128xf32>
    %bitcast_convert_type3A_314 = tpu.bitcast %reshape3A_313 : vector<25x4x128xf32> -> vector<25x4x128xi32>
    %shift_right_arithmetic3A_315 = arith.constant 23 : i32
    %shift_right_arithmetic3A_316 = vector.broadcast %shift_right_arithmetic3A_315 : i32 to vector<25x4x128xi32>
    %shift_right_arithmetic3A_317 = arith.shrsi %bitcast_convert_type3A_314, %shift_right_arithmetic3A_316 : vector<25x4x128xi32>
    %sub3A_318 = arith.constant 127 : i32
    %sub3A_319 = vector.broadcast %sub3A_318 : i32 to vector<25x4x128xi32>
    %sub3A_320 = arith.subi %shift_right_arithmetic3A_317, %sub3A_319 : vector<25x4x128xi32>
    %sub3A_321 = arith.constant 127 : i32
    %sub3A_322 = vector.broadcast %sub3A_321 : i32 to vector<25x4x128xi32>
    %sub3A_323 = arith.subi %sub3A_322, %sub3A_320 : vector<25x4x128xi32>
    %shift_left3A_324 = arith.constant 23 : i32
    %shift_left3A_325 = vector.broadcast %shift_left3A_324 : i32 to vector<25x4x128xi32>
    %shift_left3A_326 = arith.shli %sub3A_323, %shift_left3A_325 : vector<25x4x128xi32>
    %bitcast_convert_type3A_327 = tpu.bitcast %shift_left3A_326 : vector<25x4x128xi32> -> vector<25x4x128xf32>
    %mul3A_328 = arith.mulf %mul3A_309, %bitcast_convert_type3A_327 : vector<25x4x128xf32>
    %reduce_sum3A_329 = arith.constant dense<0> : vector<25x128xi32>
    %reduce_sum3A_330 = vector.multi_reduction <add>, %sub3A_320, %reduce_sum3A_329 [1] : vector<25x4x128xi32> to vector<25x128xi32>
    %add3A_331 = arith.addi %add3A_287, %reduce_sum3A_330 : vector<25x128xi32>
    %get3A_332 = arith.constant 2 : index
    %get3A_333 = arith.constant 0 : index
    %get3A_334 = arith.constant 0 : index
    %get3A_335 = vector.load %arg2[%get3A_332, %get3A_333, %get3A_334] : memref<10x128x128xf32, #tpu.memory_space<vmem>>, vector<1x128x128xf32>
    %get3A_336 = vector.shape_cast %get3A_335 : vector<1x128x128xf32> to vector<128x128xf32>
    %reshape3A_337 = vector.shape_cast %mul3A_328 : vector<25x4x128xf32> to vector<100x128xf32>
    %dot_general3A_338 = arith.constant dense<0.000000e+00> : vector<100x128xf32>
    %dot_general3A_339 = tpu.matmul %reshape3A_337, %get3A_336, %dot_general3A_338 {dimension_numbers = #tpu.dot_dimension_numbers<[1], [0], [0], [1], [0, 0, 1, 1], [], []>, transpose_lhs_hint = false} : vector<100x128xf32>, vector<128x128xf32>, vector<100x128xf32> -> vector<100x128xf32>
    %reshape3A_340 = vector.shape_cast %dot_general3A_339 : vector<100x128xf32> to vector<25x4x128xf32>
    %slice3A_341 = vector.extract_strided_slice %reshape3A_340 {offsets = [0, 0, 0], sizes = [25, 2, 128], strides = [1, 1, 1]} : vector<25x4x128xf32> to vector<25x2x128xf32>
    %slice3A_342 = vector.extract_strided_slice %reshape3A_340 {offsets = [0, 2, 0], sizes = [25, 2, 128], strides = [1, 1, 1]} : vector<25x4x128xf32> to vector<25x2x128xf32>
    %mul3A_343 = arith.mulf %slice3A_341, %slice3A_342 : vector<25x2x128xf32>
    %slice3A_344 = vector.extract_strided_slice %get3A_2 {offsets = [0, 2, 0], sizes = [25, 2, 128], strides = [1, 1, 1]} : vector<25x1024x128xf32> to vector<25x2x128xf32>
    %get3A_345 = arith.constant 1 : index
    %get3A_346 = arith.constant 0 : index
    %get3A_347 = vector.load %arg3[%get3A_345, %get3A_346] : memref<10x128xf32, #tpu.memory_space<vmem>>, vector<1x128xf32>
    %get3A_348 = vector.shape_cast %get3A_347 : vector<1x128xf32> to vector<128xf32>
    %broadcast_in_dim3A_349 = vector.shape_cast %get3A_348 : vector<128xf32> to vector<1x1x128xf32>
    %mul3A_350 = vector.broadcast %broadcast_in_dim3A_349 : vector<1x1x128xf32> to vector<25x2x128xf32>
    %mul3A_351 = arith.mulf %slice3A_344, %mul3A_350 : vector<25x2x128xf32>
    %mul3A_352 = arith.mulf %mul3A_351, %mul3A_351 : vector<25x2x128xf32>
    %mul3A_353 = arith.mulf %mul3A_352, %mul3A_343 : vector<25x2x128xf32>
    %reshape3A_354 = vector.shape_cast %mul3A_353 : vector<25x2x128xf32> to vector<50x128xf32>
    %dot_general3A_355 = arith.constant dense<0.000000e+00> : vector<50x128xf32>
    %dot_general3A_356 = tpu.matmul %reshape3A_354, %get3A_5, %dot_general3A_355 {dimension_numbers = #tpu.dot_dimension_numbers<[1], [0], [0], [1], [0, 0, 1, 1], [], []>, transpose_lhs_hint = false} : vector<50x128xf32>, vector<128x128xf32>, vector<50x128xf32> -> vector<50x128xf32>
    %reshape3A_357 = vector.shape_cast %dot_general3A_356 : vector<50x128xf32> to vector<25x2x128xf32>
    %bitcast_convert_type3A_358 = tpu.bitcast %reshape3A_357 : vector<25x2x128xf32> -> vector<25x2x128xi32>
    %shift_right_arithmetic3A_359 = arith.constant 23 : i32
    %shift_right_arithmetic3A_360 = vector.broadcast %shift_right_arithmetic3A_359 : i32 to vector<25x2x128xi32>
    %shift_right_arithmetic3A_361 = arith.shrsi %bitcast_convert_type3A_358, %shift_right_arithmetic3A_360 : vector<25x2x128xi32>
    %sub3A_362 = arith.constant 127 : i32
    %sub3A_363 = vector.broadcast %sub3A_362 : i32 to vector<25x2x128xi32>
    %sub3A_364 = arith.subi %shift_right_arithmetic3A_361, %sub3A_363 : vector<25x2x128xi32>
    %sub3A_365 = arith.constant 127 : i32
    %sub3A_366 = vector.broadcast %sub3A_365 : i32 to vector<25x2x128xi32>
    %sub3A_367 = arith.subi %sub3A_366, %sub3A_364 : vector<25x2x128xi32>
    %shift_left3A_368 = arith.constant 23 : i32
    %shift_left3A_369 = vector.broadcast %shift_left3A_368 : i32 to vector<25x2x128xi32>
    %shift_left3A_370 = arith.shli %sub3A_367, %shift_left3A_369 : vector<25x2x128xi32>
    %bitcast_convert_type3A_371 = tpu.bitcast %shift_left3A_370 : vector<25x2x128xi32> -> vector<25x2x128xf32>
    %mul3A_372 = arith.mulf %mul3A_353, %bitcast_convert_type3A_371 : vector<25x2x128xf32>
    %reduce_sum3A_373 = arith.constant dense<0> : vector<25x128xi32>
    %reduce_sum3A_374 = vector.multi_reduction <add>, %sub3A_364, %reduce_sum3A_373 [1] : vector<25x2x128xi32> to vector<25x128xi32>
    %add3A_375 = arith.addi %add3A_331, %reduce_sum3A_374 : vector<25x128xi32>
    %get3A_376 = arith.constant 1 : index
    %get3A_377 = arith.constant 0 : index
    %get3A_378 = arith.constant 0 : index
    %get3A_379 = vector.load %arg2[%get3A_376, %get3A_377, %get3A_378] : memref<10x128x128xf32, #tpu.memory_space<vmem>>, vector<1x128x128xf32>
    %get3A_380 = vector.shape_cast %get3A_379 : vector<1x128x128xf32> to vector<128x128xf32>
    %reshape3A_381 = vector.shape_cast %mul3A_372 : vector<25x2x128xf32> to vector<50x128xf32>
    %dot_general3A_382 = arith.constant dense<0.000000e+00> : vector<50x128xf32>
    %dot_general3A_383 = tpu.matmul %reshape3A_381, %get3A_380, %dot_general3A_382 {dimension_numbers = #tpu.dot_dimension_numbers<[1], [0], [0], [1], [0, 0, 1, 1], [], []>, transpose_lhs_hint = false} : vector<50x128xf32>, vector<128x128xf32>, vector<50x128xf32> -> vector<50x128xf32>
    %reshape3A_384 = vector.shape_cast %dot_general3A_383 : vector<50x128xf32> to vector<25x2x128xf32>
    %slice3A_385 = vector.extract_strided_slice %reshape3A_384 {offsets = [0, 0, 0], sizes = [25, 1, 128], strides = [1, 1, 1]} : vector<25x2x128xf32> to vector<25x1x128xf32>
    %slice3A_386 = vector.extract_strided_slice %reshape3A_384 {offsets = [0, 1, 0], sizes = [25, 1, 128], strides = [1, 1, 1]} : vector<25x2x128xf32> to vector<25x1x128xf32>
    %mul3A_387 = arith.mulf %slice3A_385, %slice3A_386 : vector<25x1x128xf32>
    %slice3A_388 = vector.extract_strided_slice %get3A_2 {offsets = [0, 1, 0], sizes = [25, 1, 128], strides = [1, 1, 1]} : vector<25x1024x128xf32> to vector<25x1x128xf32>
    %get3A_389 = arith.constant 0 : index
    %get3A_390 = arith.constant 0 : index
    %get3A_391 = vector.load %arg3[%get3A_389, %get3A_390] : memref<10x128xf32, #tpu.memory_space<vmem>>, vector<1x128xf32>
    %get3A_392 = vector.shape_cast %get3A_391 : vector<1x128xf32> to vector<128xf32>
    %broadcast_in_dim3A_393 = vector.shape_cast %get3A_392 : vector<128xf32> to vector<1x1x128xf32>
    %mul3A_394 = vector.broadcast %broadcast_in_dim3A_393 : vector<1x1x128xf32> to vector<25x1x128xf32>
    %mul3A_395 = arith.mulf %slice3A_388, %mul3A_394 : vector<25x1x128xf32>
    %mul3A_396 = arith.mulf %mul3A_395, %mul3A_395 : vector<25x1x128xf32>
    %mul3A_397 = arith.mulf %mul3A_396, %mul3A_387 : vector<25x1x128xf32>
    %reshape3A_398 = vector.shape_cast %mul3A_397 : vector<25x1x128xf32> to vector<25x128xf32>
    %dot_general3A_399 = arith.constant dense<0.000000e+00> : vector<25x128xf32>
    %dot_general3A_400 = tpu.matmul %reshape3A_398, %get3A_5, %dot_general3A_399 {dimension_numbers = #tpu.dot_dimension_numbers<[1], [0], [0], [1], [0, 0, 1, 1], [], []>, transpose_lhs_hint = false} : vector<25x128xf32>, vector<128x128xf32>, vector<25x128xf32> -> vector<25x128xf32>
    %reshape3A_401 = vector.shape_cast %dot_general3A_400 : vector<25x128xf32> to vector<25x1x128xf32>
    %bitcast_convert_type3A_402 = tpu.bitcast %reshape3A_401 : vector<25x1x128xf32> -> vector<25x1x128xi32>
    %shift_right_arithmetic3A_403 = arith.constant 23 : i32
    %shift_right_arithmetic3A_404 = vector.broadcast %shift_right_arithmetic3A_403 : i32 to vector<25x1x128xi32>
    %shift_right_arithmetic3A_405 = arith.shrsi %bitcast_convert_type3A_402, %shift_right_arithmetic3A_404 : vector<25x1x128xi32>
    %sub3A_406 = arith.constant 127 : i32
    %sub3A_407 = vector.broadcast %sub3A_406 : i32 to vector<25x1x128xi32>
    %sub3A_408 = arith.subi %shift_right_arithmetic3A_405, %sub3A_407 : vector<25x1x128xi32>
    %sub3A_409 = arith.constant 127 : i32
    %sub3A_410 = vector.broadcast %sub3A_409 : i32 to vector<25x1x128xi32>
    %sub3A_411 = arith.subi %sub3A_410, %sub3A_408 : vector<25x1x128xi32>
    %shift_left3A_412 = arith.constant 23 : i32
    %shift_left3A_413 = vector.broadcast %shift_left3A_412 : i32 to vector<25x1x128xi32>
    %shift_left3A_414 = arith.shli %sub3A_411, %shift_left3A_413 : vector<25x1x128xi32>
    %bitcast_convert_type3A_415 = tpu.bitcast %shift_left3A_414 : vector<25x1x128xi32> -> vector<25x1x128xf32>
    %mul3A_416 = arith.mulf %reshape3A_401, %bitcast_convert_type3A_415 : vector<25x1x128xf32>
    %reduce_sum3A_417 = arith.constant dense<0> : vector<25x128xi32>
    %reduce_sum3A_418 = vector.multi_reduction <add>, %sub3A_408, %reduce_sum3A_417 [1] : vector<25x1x128xi32> to vector<25x128xi32>
    %add3A_419 = arith.addi %add3A_375, %reduce_sum3A_418 : vector<25x128xi32>
    %convert_element_type3A = arith.sitofp %add3A_419 : vector<25x128xi32> to vector<25x128xf32>
    %mul3A_420 = arith.constant 0.693147182 : f32
    %mul3A_421 = vector.broadcast %mul3A_420 : f32 to vector<25x128xf32>
    %mul3A_422 = arith.mulf %convert_element_type3A, %mul3A_421 : vector<25x128xf32>
    %squeeze3A = vector.shape_cast %mul3A_416 : vector<25x1x128xf32> to vector<25x128xf32>
    %log3A = math.log %squeeze3A : vector<25x128xf32>
    %add3A_423 = arith.addf %mul3A_422, %log3A : vector<25x128xf32>
    %broadcast_in_dim3A_424 = vector.shape_cast %add3A_423 : vector<25x128xf32> to vector<25x1x128xf32>
    %swap3A = arith.constant 0 : index
    %swap3A_425 = arith.constant 0 : index
    %swap3A_426 = arith.constant 0 : index
    %swap3A_427 = vector.load %arg5[%swap3A, %swap3A_425, %swap3A_426] : memref<25x1x128xf32, #tpu.memory_space<vmem>>, vector<25x1x128xf32>
    tpu.vector_store %arg5[%swap3A, %swap3A_425, %swap3A_426], %broadcast_in_dim3A_424 {strides = array<i32>} : memref<25x1x128xf32, #tpu.memory_space<vmem>>, vector<25x1x128xf32>,
    return
  }
  func.func @transform_0(%arg0: i32) -> (i32, i32, i32) {
    %c0_i32 = arith.constant 0 : i32
    %c0_i32_0 = arith.constant 0 : i32
    %c0_i32_1 = arith.constant 0 : i32
    return %arg0, %c0_i32, %c0_i32_0 : i32, i32, i32
  }
  func.func @transform_1(%arg0: i32) -> (i32, i32, i32) {
    %c0_i32 = arith.constant 0 : i32
    %c0_i32_0 = arith.constant 0 : i32
    %c0_i32_1 = arith.constant 0 : i32
    %c0_i32_2 = arith.constant 0 : i32
    return %c0_i32, %c0_i32_0, %c0_i32_1 : i32, i32, i32
  }
  func.func @transform_2(%arg0: i32) -> (i32, i32) {
    %c0_i32 = arith.constant 0 : i32
    %c0_i32_0 = arith.constant 0 : i32
    %c0_i32_1 = arith.constant 0 : i32
    return %c0_i32, %c0_i32_0 : i32, i32
  }
  func.func @transform_3(%arg0: i32) -> (i32, i32) {
    %c0_i32 = arith.constant 0 : i32
    %c0_i32_0 = arith.constant 0 : i32
    %c0_i32_1 = arith.constant 0 : i32
    return %c0_i32, %c0_i32_0 : i32, i32
  }
  func.func @transform_4(%arg0: i32) -> (i32, i32, i32) {
    %c0_i32 = arith.constant 0 : i32
    %c0_i32_0 = arith.constant 0 : i32
    %c0_i32_1 = arith.constant 0 : i32
    return %arg0, %c0_i32, %c0_i32_0 : i32, i32, i32
  }
}

</mosaic_0001>

<sc_bundles>
// kernel: kernel.5.cloned.1.call-start
scs
__scs_entry_jumppad:
0x0: {  	(pc) =	sbr.rel $0x88, $3  }
0x1: {  	(tag) =	ssettag $0x0;
	lr =	simm.s32 $0x1  }
0x2: {  	[smem:$0x3F9D] =	sst lr;
	_ =	strace $0xD0000000  }
0x3: {  	_ = 	snop  }
0x4: {  	_ = 	snop  }
0x5: {  	_ = 	snop  }
0x6: {  	_ = 	snop  }
0x7: {  	_ = 	snop  }
__scs_overlays_trampoline_lowered:
0x8: {  	[smem:$0x3FAC] =	sst s0  }
0x9: {  	[smem:$0x3FAD] =	sst s1  }
0xa: {  	[smem:$0x3FAE] =	sst s2  }
0xb: {  	[smem:$0x3FAF] =	sst s3  }
0xc: {  	[smem:$0x3FB0] =	sst s4  }
0xd: {  	[smem:$0x3FB1] =	sst s5  }
0xe: {  	[smem:$0x3FB2] =	sst s6  }
0xf: {  	[smem:$0x3FB3] =	sst s7  }
0x10: {  	[smem:$0x3FB4] =	sst s8  }
0x11: {  	[smem:$0x3FB5] =	sst s9;
	s0 =	simm.s32 @!p0 $0x0  }
0x12: {  	s1 =	sld [smem:$0x3F9B];
	s0 =	simm.s32 @p0 $0x1  }
0x13: {  	[smem:$0x3FB6] =	sst s0;
	s0 =	simm.s32 @!p1 $0x0  }
0x14: {  	s2 =	sld [smem:$0x3F9A];
	s0 =	simm.s32 @p1 $0x1  }
0x15: {  	[smem:$0x3FB7] =	sst s0;
	s0 =	simm.s32 @!p2 $0x0  }
0x16: {  	s3 =	sld [smem:$0x3FDB];
	s0 =	simm.s32 @p2 $0x1  }
0x17: {  	s4 =	simm.s32 $0x1BF5;
	[smem:$0x3FB9] =	sst s0  }
0x18: {  	s0 =	sld [smem:$0x3F9C];
	_ =	swait.ge [sflag:s4], $0x0  }
0x19: {  	s7 =	sld [smem:$0x3F9D]  }
0x1a: {  	s8 =	sadd.s32 $0xFFFFE003, lr  }
0x1b: {  	s9 =	sadd.s32 $0xFFFFFEF7, lr;
	s5 =	simm.s32 $0xFFFFFFFF;
	p2 =	slt.u32 s8, $0xFFFFF086  }
0x1c: {  	p1 =	slt.u32 s9, $0xF7A;
	s5 =	simm.s32 @!p2 $0x0  }
0x1d: {  	s5 =	simm.s32 @p1 $0x1;
	p0 =	seq.s32 s7, s2  }
0x1e: {  	s7 =	smul.u32 @!p0 $0xF7A, s2;
	p2 =	seq.s32 @!p0 s5, $0x0  }
0x1f: {  	s9 =	smul.u32 $0xF7A, s1;
	s8 =	simm.s32 @!p0 $0x1BF5;
	p2 =	por !p2, p0  }
0x20: {  	[sflag:s8] =	ssyncset.s32 @!p0 $0xFFFFF086;
	s6 =	sadd.s32 @!p0 s3, s7;
	s7 =	simm.s32 @!p0 $0x108  }
0x21: {  	s3 =	sadd.s32 s3, s9;
	s6 =	sadd.s32 @!p0 $0x88, s6;
	s7 =	simm.s32 @p2 $0x1082  }
0x22: {  	[simem:s7], [sflag:s8] =	dma.local @!p0 [hbm:s6], $0xF7A  }
0x23: {  	s9 =	sor.u32 $0xD0000000, s2;
	s6 =	simm.s32 $0x108;
	_ =	swait.ge @!p0 [sflag:s8], $0x0  }
0x24: {  	s3 =	sadd.s32 $0x88, s3;
	s6 =	simm.s32 @!p1 $0x1082;
	[sflag:s4] =	ssyncset.s32 $0xFFFFF086  }
0x25: {  	[simem:s6], [sflag:s4] =	dma.local [hbm:s3], $0xF7A  }
0x26: {  	[smem:$0x3F9D] =	sst s1;
	(tag) =	ssettag s2;
	_ =	strace s9  }
0x27: {  	s1 =	sld [smem:$0x3FAD]  }
0x28: {  	s2 =	sld [smem:$0x3FAE]  }
0x29: {  	s4 =	sld [smem:$0x3FB0]  }
0x2a: {  	p0 =	seq.s32 s5, $0x0;
	s5 =	sld [smem:$0x3FB1]  }
0x2b: {  	s6 =	sld [smem:$0x3FB2]  }
0x2c: {  	s7 =	sld [smem:$0x3FB3]  }
0x2d: {  	s3 =	simm.s32 $0x108;
	s8 =	sld [smem:$0x3FB4]  }
0x2e: {  	s3 =	simm.s32 @!p0 $0x1082;
	s9 =	sld [smem:$0x3FB5]  }
0x2f: {  	lr =	sadd.s32 s0, s3;
	s0 =	sld [smem:$0x3FAC]  }
0x30: {  	s3 =	sld [smem:$0x3FAF]  }
0x31: {  	[smem:$0x3FB8] =	sst s10  }
0x32: {  	s10 =	sld [smem:$0x3FB6];
	_ =	sdelay $0x3  }
0x33: {  	p0 =	seq.s32 s10, $0x1;
	s10 =	sld [smem:$0x3FB8];
	_ =	sdelay $0x3  }
0x34: {  	[smem:$0x3FB8] =	sst s10  }
0x35: {  	s10 =	sld [smem:$0x3FB7];
	_ =	sdelay $0x3  }
0x36: {  	p1 =	seq.s32 s10, $0x1;
	s10 =	sld [smem:$0x3FB8];
	_ =	sdelay $0x3  }
0x37: {  	[smem:$0x3FB8] =	sst s10  }
0x38: {  	s10 =	sld [smem:$0x3FB9]  }
0x39: {  	_ = 	snop;
	(pc) =	sbr.ind lr, $3  }
0x3a: {  	_ = 	snop  }
0x3b: {  	_ = 	snop  }
0x3c: {  	p2 =	seq.s32 s10, $0x1;
	s10 =	sld [smem:$0x3FB8]  }
0x3d: {  	_ =	shalt  }
0x3e: {  	_ =	shalt  }
0x3f: {  	_ =	shalt  }
0x40: {  	_ =	shalt  }
0x41: {  	_ =	shalt  }
0x42: {  	_ =	shalt  }
0x43: {  	_ =	shalt  }
0x44: {  	_ =	shalt  }
0x45: {  	_ =	shalt  }
0x46: {  	_ =	shalt  }
0x47: {  	_ =	shalt  }
0x48: {  	_ =	shalt  }
0x49: {  	_ =	shalt  }
0x4a: {  	_ =	shalt  }
0x4b: {  	_ =	shalt  }
0x4c: {  	_ =	shalt  }
0x4d: {  	_ =	shalt  }
0x4e: {  	_ =	shalt  }
0x4f: {  	_ =	shalt  }
0x50: {  	_ =	shalt  }
0x51: {  	_ =	shalt  }
0x52: {  	_ =	shalt  }
0x53: {  	_ =	shalt  }
0x54: {  	_ =	shalt  }
0x55: {  	_ =	shalt  }
0x56: {  	_ =	shalt  }
0x57: {  	_ =	shalt  }
0x58: {  	_ =	shalt  }
0x59: {  	_ =	shalt  }
0x5a: {  	_ =	shalt  }
0x5b: {  	_ =	shalt  }
0x5c: {  	_ =	shalt  }
0x5d: {  	_ =	shalt  }
0x5e: {  	_ =	shalt  }
0x5f: {  	_ =	shalt  }
0x60: {  	_ =	shalt  }
0x61: {  	_ =	shalt  }
0x62: {  	_ =	shalt  }
0x63: {  	_ =	shalt  }
0x64: {  	_ =	shalt  }
0x65: {  	_ =	shalt  }
0x66: {  	_ =	shalt  }
0x67: {  	_ =	shalt  }
0x68: {  	_ =	shalt  }
0x69: {  	_ =	shalt  }
0x6a: {  	_ =	shalt  }
0x6b: {  	_ =	shalt  }
0x6c: {  	_ =	shalt  }
0x6d: {  	_ =	shalt  }
0x6e: {  	_ =	shalt  }
0x6f: {  	_ =	shalt  }
0x70: {  	_ =	shalt  }
0x71: {  	_ =	shalt  }
0x72: {  	_ =	shalt  }
0x73: {  	_ =	shalt  }
0x74: {  	_ =	shalt  }
0x75: {  	_ =	shalt  }
0x76: {  	_ =	shalt  }
0x77: {  	_ =	shalt  }
0x78: {  	_ =	shalt  }
0x79: {  	_ =	shalt  }
0x7a: {  	_ =	shalt  }
0x7b: {  	_ =	shalt  }
0x7c: {  	_ =	shalt  }
0x7d: {  	_ =	shalt  }
0x7e: {  	_ =	shalt  }
0x7f: {  	_ =	shalt  }
0x80: {  	_ =	shalt  }
0x81: {  	_ =	shalt  }
0x82: {  	_ =	shalt  }
0x83: {  	_ =	shalt  }
0x84: {  	_ =	shalt  }
0x85: {  	_ =	shalt  }
0x86: {  	_ =	shalt  }
0x87: {  	_ =	shalt  }
.Lfunc_end0:
.L_simem_size_0:
called_computation_lowered:
.L_overlay_start_0:
0x88: {  	s2 =	sld [smem:$0x3FD9]  }
0x89: {  	s3 =	sld [smem:$0x3FFE];
	_ =	sdelay $0x1  }
0x8a: {  	s1 =	srdreg.scid  }
0x8b: {  	s0 =	sand.u32 $0x1, s1  }
0x8c: {  	s16 =	sshll.u32 s0, $0xA;
	s2 =	sadd.s32 s3, s2  }
0x8d: {  	s2 =	sadd.s32 s2, s16  }
0x8e: {  	[smem:$0x3FC4] =	sst s2  }
0x8f: {  	_ = 	snop  }
0x90: {  	(tm) =	ssettm $0x1  }
0x91: {  	s17 =	sld [smem:$0x3FFB];
	_ =	sdelay $0x3  }
0x92: {  	_ =	strace s17  }
0x93: {  	s2 =	sld [smem:$0x3FFC];
	_ =	sdelay $0x3  }
0x94: {  	_ =	strace s2  }
0x95: {  	s2 =	sld [smem:$0x3FFD];
	_ =	sdelay $0x3  }
0x96: {  	_ =	strace s2  }
0x97: {  	_ =	strace $0x8FFFFFFF  }
0x98: {  	s18 =	sld [smem:$0x3FDB];
	_ =	sdelay $0x1  }
0x99: {  	s19 =	simm.s32 $_scs_section_size  }
0x9a: {  	s4 =	simm.s32 $_size__tile_overlayer_lowered;
	s5 =	simm.s32 $_tile_overlayer_lowered  }
0x9b: {  	s22 =	simm.s32 $0x1BFF;
	s21 =	sshll.u32 s5, $0x1;
	s2 =	sadd.s32 s19, s18  }
0x9c: {  	s6 =	simm.s32 $0x0;
	s20 =	sshll.u32 s4, $0x1;
	s4 =	sadd.s32 s21, s2  }
0x9d: {  	[timem:s6], [sflag:s22] =	dma.local [hbm:s4], s20  }
0x9e: {  	_ =	swait.ge [sflag:s22], s20  }
0x9f: {  	s3 =	ssub.s32 $0x0, s20;
	[sflag:s22] =	ssyncset.done $0x0  }
0xa0: {  	[sflag:s22] =	ssyncadd.s32 s3;
	_ =	sdelay $0x1  }
0xa1: {  	s23 =	simm.s32 $0x1B8B  }
0xa2: {  	_ =	swait.ge [sflag:s23], $0x1  }
0xa3: {  	[sflag:s23] =	ssyncset.done $0x0  }
0xa4: {  	s25 =	simm.s32 $0x1B8E;
	s24 =	sld [smem:$0x3FFE];
	[sflag:s23] =	ssyncadd.s32 $0xFFFFFFFF  }
0xa5: {  	s26 =	simm.s32 $execute0_lowered;
	[smem:$0x3FD2] =	sst s25  }
0xa6: {  	s4 =	sshll.u32 s26, $0x1;
	_ =	strace $0x80000046;
	[dreg:$0x1] =	wrdreg $0xFFFFFFFF  }
0xa7: {  	s28 =	simm.s32 $_size_execute0_lowered;
	s2 =	sadd.s32 s2, s4;
	[dreg:$0x0] =	wrdreg $0x0  }
0xa8: {  	s4 =	sshll.u32 s28, $0x1;
	[dreg:$0x2] =	wrdreg s2  }
0xa9: {  	[dreg:$0x3] =	wrdreg s4  }
0xaa: {  	[dreg:$0x4] =	wrdreg $0xC0  }
0xab: {  	_ =	task [dreg:s6], $0x5FFFF  }
0xac: {  	[dreg:$0x1] =	wrdreg $0xFFFFFFFF  }
0xad: {  	[dreg:$0x0] =	wrdreg $0x60  }
0xae: {  	[dreg:$0x2] =	wrdreg s24  }
0xaf: {  	[dreg:$0x3] =	wrdreg $0x9  }
0xb0: {  	_ =	task.clear_ibuf [dreg:s6], $0x4FFFF;
	_ =	strace $0x90000046  }
0xb1: {  	s29 =	simm.s32 $0x9;
	_ =	strace $0x80000048  }
0xb2: {  	_ =	swait.ge [sflag:s29], $0x1  }
0xb3: {  	[sflag:s29] =	ssyncadd.s32 $0xFFFFFFFF  }
0xb4: {  	_ =	strace $0x90000048  }
0xb5: {  	_ =	sfence  }
0xb6: {  	s30 =	sld [smem:$0x0];
	_ =	sdelay $0x2  }
0xb7: {  	s31 =	sshll.u32 s1, $0xD;
	s1 =	sshrl.u32 s1, $0x2  }
0xb8: {  	s3 =	sand.u32 $0x4000, s31;
	s1 =	sadd.s32 s1, s30  }
0xb9: {  	s0 =	sor.u32 s3, s0;
	s1 =	sshll.u32 s1, $0x11  }
0xba: {  	s0 =	sor.u32 s1, s0  }
0xbb: {  	s0 =	sadd.s32 $0x8F2B, s0  }
0xbc: {  	[sflag:s0] =	ssyncadd.remote.s32 $0x1  }
0xbd: {  	_ =	sfence.sel $0xFFFF  }
0xbe: {  	[dreg:$0x0] =	wrdreg $0xFFFFFFFF;
	(pc) =	sbr.abs _section_cstart, $3  }
0xbf: {  	[dreg:$0x1] =	wrdreg $0xFFFFFFFF  }
0xc0: {  	_ =	task.clear_ibuf [dreg:s6], $0x2FFFF;
	_ =	strace $0x9FFFFFFF  }
0xc1: {  	(tm) =	ssettm $0x7FFFFFFF  }
tec
execute0_lowered:
.L_overlay_start_1:
0x0: {  	(tag) =	ssettag $0x1  }
0x1: {  	s1 =	srdreg.scid;
	s0 =	stileid.u32  }
0x2: {  	s29 =	sand.u32 $0x1, s1;
	s4 =	sshll.u32 s0, $0x1  }
0x3: {  	s22 =	sor.u32 s29, s4  }
0x4: {  	p0 =	sgt.u32 s22, $0x18  }
.Ltmp0:
0x5: {  	_ = 	snop;
	(pc) =	sbr.rel @p0 .LBB2_4-.Ltmp0, $4  }
0x6: {  	_ = 	snop  }
0x7: {  	s2 =	rddreg [dreg:$0x0];
	s3 =	simm.s32 $0x0  }
0x8: {  	[smem:$0x7FF] =	sst s3  }
0x9: {  	s1 =	rddreg [dreg:$0x1];
	_ =	strace $0x80000047  }
0xa: {  	s23 =	sadd.s32 $0x2000, s2;
	s24 =	sshll.u32 s22, $0x9  }
0xb: {  	s4 =	simm.s32 $0x2;
	s5 =	sadd.s32 s23, s24  }
0xc: {  	[tilespmem:s3], [sflag:$0x2] =	stream.linear.gather [hbm4b:s5+s3], $0x400, $0x38;
	[tilespmem:$0x8400] =	vst v63  }
0xd: {  	_ =	swait.ge [sflag:s4], $0x400  }
0xe: {  	[sflag:s4] =	ssyncset.done $0x0  }
0xf: {  	s6 =	simm.s32 $0x80;
	s7 =	simm.s32 $0x400;
	[sflag:s4] =	ssyncadd.s32 $0xFFFFFC00  }
0x10: {  	[tilespmem:s7], [sflag:$0x1] =	stream.indirect.gather [hbm4b:s2+s6], $0x20, s3, s6, $0xb8;
	[tilespmem:$0x8400] =	vst v63  }
0x11: {  	s8 =	simm.s32 $0x1400  }
0x12: {  	[tilespmem:s8], [sflag:$0x1] =	stream.indirect.gather [hbm4b:s2+s6], $0x20, s6, s6, $0xb8;
	[tilespmem:$0x8400] =	vst v63  }
0x13: {  	s9 =	simm.s32 $0x100;
	s10 =	simm.s32 $0x2400  }
0x14: {  	[tilespmem:s10], [sflag:$0x1] =	stream.indirect.gather [hbm4b:s2+s6], $0x20, s9, s6, $0xb8;
	[tilespmem:$0x8400] =	vst v63  }
0x15: {  	s11 =	simm.s32 $0x180;
	s12 =	simm.s32 $0x3400  }
0x16: {  	[tilespmem:s12], [sflag:$0x1] =	stream.indirect.gather [hbm4b:s2+s6], $0x20, s11, s6, $0xb8;
	[tilespmem:$0x8400] =	vst v63  }
0x17: {  	s13 =	simm.s32 $0x200;
	s14 =	simm.s32 $0x4400  }
0x18: {  	[tilespmem:s14], [sflag:$0x1] =	stream.indirect.gather [hbm4b:s2+s6], $0x20, s13, s6, $0xb8;
	[tilespmem:$0x8400] =	vst v63  }
0x19: {  	s15 =	simm.s32 $0x280;
	s16 =	simm.s32 $0x5400  }
0x1a: {  	[tilespmem:s16], [sflag:$0x1] =	stream.indirect.gather [hbm4b:s2+s6], $0x20, s15, s6, $0xb8;
	[tilespmem:$0x8400] =	vst v63  }
0x1b: {  	s17 =	simm.s32 $0x300;
	s18 =	simm.s32 $0x6400  }
0x1c: {  	[tilespmem:s18], [sflag:$0x1] =	stream.indirect.gather [hbm4b:s2+s6], $0x20, s17, s6, $0xb8;
	[tilespmem:$0x8400] =	vst v63  }
0x1d: {  	s19 =	simm.s32 $0x380;
	s20 =	simm.s32 $0x7400;
	s21 =	simm.s32 $0x1  }
0x1e: {  	[tilespmem:s20], [sflag:$0x1] =	stream.indirect.gather [hbm4b:s2+s6], $0x20, s19, s6, $0xb8;
	[tilespmem:$0x8400] =	vst v63  }
0x1f: {  	_ =	swait.ge [sflag:s21], $0x1000  }
0x20: {  	[sflag:s21] =	ssyncset.done $0x0  }
0x21: {  	[sflag:s21] =	ssyncadd.s32 $0xFFFFF000  }
0x22: {  	_ =	swait.ge [sflag:s21], $0x1000  }
0x23: {  	[sflag:s21] =	ssyncset.done $0x0  }
0x24: {  	[sflag:s21] =	ssyncadd.s32 $0xFFFFF000  }
0x25: {  	_ =	swait.ge [sflag:s21], $0x1000  }
0x26: {  	[sflag:s21] =	ssyncset.done $0x0  }
0x27: {  	[sflag:s21] =	ssyncadd.s32 $0xFFFFF000  }
0x28: {  	_ =	swait.ge [sflag:s21], $0x1000  }
0x29: {  	[sflag:s21] =	ssyncset.done $0x0  }
0x2a: {  	[sflag:s21] =	ssyncadd.s32 $0xFFFFF000  }
0x2b: {  	_ =	swait.ge [sflag:s21], $0x1000  }
0x2c: {  	[sflag:s21] =	ssyncset.done $0x0  }
0x2d: {  	[sflag:s21] =	ssyncadd.s32 $0xFFFFF000  }
0x2e: {  	_ =	swait.ge [sflag:s21], $0x1000  }
0x2f: {  	[sflag:s21] =	ssyncset.done $0x0  }
0x30: {  	[sflag:s21] =	ssyncadd.s32 $0xFFFFF000  }
0x31: {  	_ =	swait.ge [sflag:s21], $0x1000  }
0x32: {  	[sflag:s21] =	ssyncset.done $0x0  }
0x33: {  	[sflag:s21] =	ssyncadd.s32 $0xFFFFF000  }
0x34: {  	s31 =	sshll.u32 s22, $0xE;
	_ =	swait.ge [sflag:s21], $0x1000  }
0x35: {  	s30 =	sadd.s32 s31, s2;
	[sflag:s21] =	ssyncset.done $0x0  }
0x36: {  	s22 =	sadd.s32 $0x5200, s30;
	[sflag:s21] =	ssyncadd.s32 $0xFFFFF000  }
0x37: {  	[hbm4b:s22+s3] =	stream.linear.scatter [tilespmem:s7], [sflag:$0x2], $0x8000, $0x38;
	[tilespmem:$0x8400] =	vst v63  }
0x38: {  	_ =	swait.ge [sflag:s4], $0x8000  }
0x39: {  	s28 =	sadd.s32 s24, s23;
	[sflag:s4] =	ssyncset.done $0x0  }
0x3a: {  	s23 =	sadd.s32 $0x80, s28;
	[sflag:s4] =	ssyncadd.s32 $0xFFFF8000  }
0x3b: {  	[tilespmem:s3], [sflag:$0x2] =	stream.linear.gather [hbm4b:s23+s3], $0x400, $0x38;
	[tilespmem:$0x8400] =	vst v63  }
0x3c: {  	_ =	swait.ge [sflag:s4], $0x400  }
0x3d: {  	[sflag:s4] =	ssyncset.done $0x0  }
0x3e: {  	[sflag:s4] =	ssyncadd.s32 $0xFFFFFC00  }
0x3f: {  	[tilespmem:s7], [sflag:$0x1] =	stream.indirect.gather [hbm4b:s2+s6], $0x20, s3, s6, $0xb8;
	[tilespmem:$0x8400] =	vst v63  }
0x40: {  	_ = 	snop  }
0x41: {  	[tilespmem:s8], [sflag:$0x1] =	stream.indirect.gather [hbm4b:s2+s6], $0x20, s6, s6, $0xb8;
	[tilespmem:$0x8400] =	vst v63  }
0x42: {  	_ = 	snop  }
0x43: {  	[tilespmem:s10], [sflag:$0x1] =	stream.indirect.gather [hbm4b:s2+s6], $0x20, s9, s6, $0xb8;
	[tilespmem:$0x8400] =	vst v63  }
0x44: {  	_ = 	snop  }
0x45: {  	[tilespmem:s12], [sflag:$0x1] =	stream.indirect.gather [hbm4b:s2+s6], $0x20, s11, s6, $0xb8;
	[tilespmem:$0x8400] =	vst v63  }
0x46: {  	_ = 	snop  }
0x47: {  	[tilespmem:s14], [sflag:$0x1] =	stream.indirect.gather [hbm4b:s2+s6], $0x20, s13, s6, $0xb8;
	[tilespmem:$0x8400] =	vst v63  }
0x48: {  	_ = 	snop  }
0x49: {  	[tilespmem:s16], [sflag:$0x1] =	stream.indirect.gather [hbm4b:s2+s6], $0x20, s15, s6, $0xb8;
	[tilespmem:$0x8400] =	vst v63  }
0x4a: {  	_ = 	snop  }
0x4b: {  	[tilespmem:s18], [sflag:$0x1] =	stream.indirect.gather [hbm4b:s2+s6], $0x20, s17, s6, $0xb8;
	[tilespmem:$0x8400] =	vst v63  }
0x4c: {  	_ = 	snop  }
0x4d: {  	[tilespmem:s20], [sflag:$0x1] =	stream.indirect.gather [hbm4b:s2+s6], $0x20, s19, s6, $0xb8;
	[tilespmem:$0x8400] =	vst v63  }
0x4e: {  	_ =	swait.ge [sflag:s21], $0x1000  }
0x4f: {  	[sflag:s21] =	ssyncset.done $0x0  }
0x50: {  	[sflag:s21] =	ssyncadd.s32 $0xFFFFF000  }
0x51: {  	_ =	swait.ge [sflag:s21], $0x1000  }
0x52: {  	[sflag:s21] =	ssyncset.done $0x0  }
0x53: {  	[sflag:s21] =	ssyncadd.s32 $0xFFFFF000  }
0x54: {  	_ =	swait.ge [sflag:s21], $0x1000  }
0x55: {  	[sflag:s21] =	ssyncset.done $0x0  }
0x56: {  	[sflag:s21] =	ssyncadd.s32 $0xFFFFF000  }
0x57: {  	_ =	swait.ge [sflag:s21], $0x1000  }
0x58: {  	[sflag:s21] =	ssyncset.done $0x0  }
0x59: {  	[sflag:s21] =	ssyncadd.s32 $0xFFFFF000  }
0x5a: {  	_ =	swait.ge [sflag:s21], $0x1000  }
0x5b: {  	[sflag:s21] =	ssyncset.done $0x0  }
0x5c: {  	[sflag:s21] =	ssyncadd.s32 $0xFFFFF000  }
0x5d: {  	_ =	swait.ge [sflag:s21], $0x1000  }
0x5e: {  	[sflag:s21] =	ssyncset.done $0x0  }
0x5f: {  	[sflag:s21] =	ssyncadd.s32 $0xFFFFF000  }
0x60: {  	_ =	swait.ge [sflag:s21], $0x1000  }
0x61: {  	[sflag:s21] =	ssyncset.done $0x0  }
0x62: {  	[sflag:s21] =	ssyncadd.s32 $0xFFFFF000  }
0x63: {  	_ =	swait.ge [sflag:s21], $0x1000  }
0x64: {  	[sflag:s21] =	ssyncset.done $0x0  }
0x65: {  	s24 =	sadd.s32 $0x6200, s30;
	[sflag:s21] =	ssyncadd.s32 $0xFFFFF000  }
0x66: {  	[hbm4b:s24+s3] =	stream.linear.scatter [tilespmem:s7], [sflag:$0x2], $0x8000, $0x38;
	[tilespmem:$0x8400] =	vst v63  }
0x67: {  	_ =	swait.ge [sflag:s4], $0x8000  }
0x68: {  	[sflag:s4] =	ssyncset.done $0x0  }
0x69: {  	s25 =	sadd.s32 $0x100, s28;
	[sflag:s4] =	ssyncadd.s32 $0xFFFF8000  }
0x6a: {  	[tilespmem:s3], [sflag:$0x2] =	stream.linear.gather [hbm4b:s25+s3], $0x400, $0x38;
	[tilespmem:$0x8400] =	vst v63  }
0x6b: {  	_ =	swait.ge [sflag:s4], $0x400  }
0x6c: {  	[sflag:s4] =	ssyncset.done $0x0  }
0x6d: {  	[sflag:s4] =	ssyncadd.s32 $0xFFFFFC00  }
0x6e: {  	[tilespmem:s7], [sflag:$0x1] =	stream.indirect.gather [hbm4b:s2+s6], $0x20, s3, s6, $0xb8;
	[tilespmem:$0x8400] =	vst v63  }
0x6f: {  	_ = 	snop  }
0x70: {  	[tilespmem:s8], [sflag:$0x1] =	stream.indirect.gather [hbm4b:s2+s6], $0x20, s6, s6, $0xb8;
	[tilespmem:$0x8400] =	vst v63  }
0x71: {  	_ = 	snop  }
0x72: {  	[tilespmem:s10], [sflag:$0x1] =	stream.indirect.gather [hbm4b:s2+s6], $0x20, s9, s6, $0xb8;
	[tilespmem:$0x8400] =	vst v63  }
0x73: {  	_ = 	snop  }
0x74: {  	[tilespmem:s12], [sflag:$0x1] =	stream.indirect.gather [hbm4b:s2+s6], $0x20, s11, s6, $0xb8;
	[tilespmem:$0x8400] =	vst v63  }
0x75: {  	_ = 	snop  }
0x76: {  	[tilespmem:s14], [sflag:$0x1] =	stream.indirect.gather [hbm4b:s2+s6], $0x20, s13, s6, $0xb8;
	[tilespmem:$0x8400] =	vst v63  }
0x77: {  	_ = 	snop  }
0x78: {  	[tilespmem:s16], [sflag:$0x1] =	stream.indirect.gather [hbm4b:s2+s6], $0x20, s15, s6, $0xb8;
	[tilespmem:$0x8400] =	vst v63  }
0x79: {  	_ = 	snop  }
0x7a: {  	[tilespmem:s18], [sflag:$0x1] =	stream.indirect.gather [hbm4b:s2+s6], $0x20, s17, s6, $0xb8;
	[tilespmem:$0x8400] =	vst v63  }
0x7b: {  	_ = 	snop  }
0x7c: {  	[tilespmem:s20], [sflag:$0x1] =	stream.indirect.gather [hbm4b:s2+s6], $0x20, s19, s6, $0xb8;
	[tilespmem:$0x8400] =	vst v63  }
0x7d: {  	_ =	swait.ge [sflag:s21], $0x1000  }
0x7e: {  	[sflag:s21] =	ssyncset.done $0x0  }
0x7f: {  	[sflag:s21] =	ssyncadd.s32 $0xFFFFF000  }
0x80: {  	_ =	swait.ge [sflag:s21], $0x1000  }
0x81: {  	[sflag:s21] =	ssyncset.done $0x0  }
0x82: {  	[sflag:s21] =	ssyncadd.s32 $0xFFFFF000  }
0x83: {  	_ =	swait.ge [sflag:s21], $0x1000  }
0x84: {  	[sflag:s21] =	ssyncset.done $0x0  }
0x85: {  	[sflag:s21] =	ssyncadd.s32 $0xFFFFF000  }
0x86: {  	_ =	swait.ge [sflag:s21], $0x1000  }
0x87: {  	[sflag:s21] =	ssyncset.done $0x0  }
0x88: {  	[sflag:s21] =	ssyncadd.s32 $0xFFFFF000  }
0x89: {  	_ =	swait.ge [sflag:s21], $0x1000  }
0x8a: {  	[sflag:s21] =	ssyncset.done $0x0  }
0x8b: {  	[sflag:s21] =	ssyncadd.s32 $0xFFFFF000  }
0x8c: {  	_ =	swait.ge [sflag:s21], $0x1000  }
0x8d: {  	[sflag:s21] =	ssyncset.done $0x0  }
0x8e: {  	[sflag:s21] =	ssyncadd.s32 $0xFFFFF000  }
0x8f: {  	_ =	swait.ge [sflag:s21], $0x1000  }
0x90: {  	[sflag:s21] =	ssyncset.done $0x0  }
0x91: {  	[sflag:s21] =	ssyncadd.s32 $0xFFFFF000  }
0x92: {  	_ =	swait.ge [sflag:s21], $0x1000  }
0x93: {  	[sflag:s21] =	ssyncset.done $0x0  }
0x94: {  	s26 =	sadd.s32 $0x7200, s30;
	[sflag:s21] =	ssyncadd.s32 $0xFFFFF000  }
0x95: {  	[hbm4b:s26+s3] =	stream.linear.scatter [tilespmem:s7], [sflag:$0x2], $0x8000, $0x38;
	[tilespmem:$0x8400] =	vst v63  }
0x96: {  	_ =	swait.ge [sflag:s4], $0x8000  }
0x97: {  	[sflag:s4] =	ssyncset.done $0x0  }
0x98: {  	s28 =	sadd.s32 $0x180, s28;
	[sflag:s4] =	ssyncadd.s32 $0xFFFF8000  }
0x99: {  	[tilespmem:s3], [sflag:$0x2] =	stream.linear.gather [hbm4b:s28+s3], $0x400, $0x38;
	[tilespmem:$0x8400] =	vst v63  }
0x9a: {  	_ =	swait.ge [sflag:s4], $0x400  }
0x9b: {  	[sflag:s4] =	ssyncset.done $0x0  }
0x9c: {  	[sflag:s4] =	ssyncadd.s32 $0xFFFFFC00  }
0x9d: {  	[tilespmem:s7], [sflag:$0x1] =	stream.indirect.gather [hbm4b:s2+s6], $0x20, s3, s6, $0xb8;
	[tilespmem:$0x8400] =	vst v63  }
0x9e: {  	_ = 	snop  }
0x9f: {  	[tilespmem:s8], [sflag:$0x1] =	stream.indirect.gather [hbm4b:s2+s6], $0x20, s6, s6, $0xb8;
	[tilespmem:$0x8400] =	vst v63  }
0xa0: {  	_ = 	snop  }
0xa1: {  	[tilespmem:s10], [sflag:$0x1] =	stream.indirect.gather [hbm4b:s2+s6], $0x20, s9, s6, $0xb8;
	[tilespmem:$0x8400] =	vst v63  }
0xa2: {  	_ = 	snop  }
0xa3: {  	[tilespmem:s12], [sflag:$0x1] =	stream.indirect.gather [hbm4b:s2+s6], $0x20, s11, s6, $0xb8;
	[tilespmem:$0x8400] =	vst v63  }
0xa4: {  	_ = 	snop  }
0xa5: {  	[tilespmem:s14], [sflag:$0x1] =	stream.indirect.gather [hbm4b:s2+s6], $0x20, s13, s6, $0xb8;
	[tilespmem:$0x8400] =	vst v63  }
0xa6: {  	_ = 	snop  }
0xa7: {  	[tilespmem:s16], [sflag:$0x1] =	stream.indirect.gather [hbm4b:s2+s6], $0x20, s15, s6, $0xb8;
	[tilespmem:$0x8400] =	vst v63  }
0xa8: {  	_ = 	snop  }
0xa9: {  	[tilespmem:s18], [sflag:$0x1] =	stream.indirect.gather [hbm4b:s2+s6], $0x20, s17, s6, $0xb8;
	[tilespmem:$0x8400] =	vst v63  }
0xaa: {  	_ = 	snop  }
0xab: {  	[tilespmem:s20], [sflag:$0x1] =	stream.indirect.gather [hbm4b:s2+s6], $0x20, s19, s6, $0xb8;
	[tilespmem:$0x8400] =	vst v63  }
0xac: {  	_ =	swait.ge [sflag:s21], $0x1000  }
0xad: {  	[sflag:s21] =	ssyncset.done $0x0  }
0xae: {  	[sflag:s21] =	ssyncadd.s32 $0xFFFFF000  }
0xaf: {  	_ =	swait.ge [sflag:s21], $0x1000  }
0xb0: {  	[sflag:s21] =	ssyncset.done $0x0  }
0xb1: {  	[sflag:s21] =	ssyncadd.s32 $0xFFFFF000  }
0xb2: {  	_ =	swait.ge [sflag:s21], $0x1000  }
0xb3: {  	[sflag:s21] =	ssyncset.done $0x0  }
0xb4: {  	[sflag:s21] =	ssyncadd.s32 $0xFFFFF000  }
0xb5: {  	_ =	swait.ge [sflag:s21], $0x1000  }
0xb6: {  	[sflag:s21] =	ssyncset.done $0x0  }
0xb7: {  	[sflag:s21] =	ssyncadd.s32 $0xFFFFF000  }
0xb8: {  	_ =	swait.ge [sflag:s21], $0x1000  }
0xb9: {  	[sflag:s21] =	ssyncset.done $0x0  }
0xba: {  	[sflag:s21] =	ssyncadd.s32 $0xFFFFF000  }
0xbb: {  	_ =	swait.ge [sflag:s21], $0x1000  }
0xbc: {  	[sflag:s21] =	ssyncset.done $0x0  }
0xbd: {  	s29 =	ssub.s32 $0x2, s29;
	[sflag:s21] =	ssyncadd.s32 $0xFFFFF000  }
0xbe: {  	s31 =	sshrl.u32 s29, $0x1;
	_ =	swait.ge [sflag:s21], $0x1000  }
0xbf: {  	s31 =	ssub.s32 s29, s31;
	[sflag:s21] =	ssyncset.done $0x0  }
0xc0: {  	s29 =	sadd.s32 $0x8200, s30;
	s30 =	smax.u32 s31, $0x1;
	[sflag:s21] =	ssyncadd.s32 $0xFFFFF000  }
0xc1: {  	p0 =	sne.s32 s30, $0x1;
	_ =	swait.ge [sflag:s21], $0x1000  }
.Ltmp1:
0xc2: {  	[sflag:s21] =	ssyncset.done $0x0;
	(pc) =	sbr.rel @!p0 .LBB2_3-.Ltmp1, $4  }
0xc3: {  	[sflag:s21] =	ssyncadd.s32 $0xFFFFF000  }
0xc4: {  	[hbm4b:s29+s3] =	stream.linear.scatter [tilespmem:s7], [sflag:$0x2], $0x8000, $0x38;
	[tilespmem:$0x8400] =	vst v63  }
0xc5: {  	_ =	swait.ge [sflag:s4], $0x8000  }
0xc6: {  	s30 =	sadd.s32 $0xFFFFFFFF, s30;
	[sflag:s4] =	ssyncset.done $0x0  }
.LBB2_2:
0xc7: {  	p0 =	sne.s32 s30, $0x1;
	s30 =	sadd.s32 $0xFFFFFFFF, s30;
	[sflag:s4] =	ssyncadd.s32 $0xFFFF8000  }
0xc8: {  	[tilespmem:s3], [sflag:$0x2] =	stream.linear.gather [hbm4b:s5+s3], $0x400, $0x38;
	[tilespmem:$0x8400] =	vst v63  }
0xc9: {  	_ =	swait.ge [sflag:s4], $0x400  }
0xca: {  	[sflag:s4] =	ssyncset.done $0x0  }
0xcb: {  	[sflag:s4] =	ssyncadd.s32 $0xFFFFFC00  }
0xcc: {  	[tilespmem:s7], [sflag:$0x1] =	stream.indirect.gather [hbm4b:s2+s6], $0x20, s3, s6, $0xb8;
	[tilespmem:$0x8400] =	vst v63  }
0xcd: {  	_ = 	snop  }
0xce: {  	[tilespmem:s8], [sflag:$0x1] =	stream.indirect.gather [hbm4b:s2+s6], $0x20, s6, s6, $0xb8;
	[tilespmem:$0x8400] =	vst v63  }
0xcf: {  	_ = 	snop  }
0xd0: {  	[tilespmem:s10], [sflag:$0x1] =	stream.indirect.gather [hbm4b:s2+s6], $0x20, s9, s6, $0xb8;
	[tilespmem:$0x8400] =	vst v63  }
0xd1: {  	_ = 	snop  }
0xd2: {  	[tilespmem:s12], [sflag:$0x1] =	stream.indirect.gather [hbm4b:s2+s6], $0x20, s11, s6, $0xb8;
	[tilespmem:$0x8400] =	vst v63  }
0xd3: {  	_ = 	snop  }
0xd4: {  	[tilespmem:s14], [sflag:$0x1] =	stream.indirect.gather [hbm4b:s2+s6], $0x20, s13, s6, $0xb8;
	[tilespmem:$0x8400] =	vst v63  }
0xd5: {  	_ = 	snop  }
0xd6: {  	[tilespmem:s16], [sflag:$0x1] =	stream.indirect.gather [hbm4b:s2+s6], $0x20, s15, s6, $0xb8;
	[tilespmem:$0x8400] =	vst v63  }
0xd7: {  	_ = 	snop  }
0xd8: {  	[tilespmem:s18], [sflag:$0x1] =	stream.indirect.gather [hbm4b:s2+s6], $0x20, s17, s6, $0xb8;
	[tilespmem:$0x8400] =	vst v63  }
0xd9: {  	_ = 	snop  }
0xda: {  	[tilespmem:s20], [sflag:$0x1] =	stream.indirect.gather [hbm4b:s2+s6], $0x20, s19, s6, $0xb8;
	[tilespmem:$0x8400] =	vst v63  }
0xdb: {  	_ =	swait.ge [sflag:s21], $0x1000  }
0xdc: {  	[sflag:s21] =	ssyncset.done $0x0  }
0xdd: {  	[sflag:s21] =	ssyncadd.s32 $0xFFFFF000  }
0xde: {  	_ =	swait.ge [sflag:s21], $0x1000  }
0xdf: {  	[sflag:s21] =	ssyncset.done $0x0  }
0xe0: {  	[sflag:s21] =	ssyncadd.s32 $0xFFFFF000  }
0xe1: {  	_ =	swait.ge [sflag:s21], $0x1000  }
0xe2: {  	[sflag:s21] =	ssyncset.done $0x0  }
0xe3: {  	[sflag:s21] =	ssyncadd.s32 $0xFFFFF000  }
0xe4: {  	_ =	swait.ge [sflag:s21], $0x1000  }
0xe5: {  	[sflag:s21] =	ssyncset.done $0x0  }
0xe6: {  	[sflag:s21] =	ssyncadd.s32 $0xFFFFF000  }
0xe7: {  	_ =	swait.ge [sflag:s21], $0x1000  }
0xe8: {  	[sflag:s21] =	ssyncset.done $0x0  }
0xe9: {  	[sflag:s21] =	ssyncadd.s32 $0xFFFFF000  }
0xea: {  	_ =	swait.ge [sflag:s21], $0x1000  }
0xeb: {  	[sflag:s21] =	ssyncset.done $0x0  }
0xec: {  	[sflag:s21] =	ssyncadd.s32 $0xFFFFF000  }
0xed: {  	_ =	swait.ge [sflag:s21], $0x1000  }
0xee: {  	[sflag:s21] =	ssyncset.done $0x0  }
0xef: {  	[sflag:s21] =	ssyncadd.s32 $0xFFFFF000  }
0xf0: {  	_ =	swait.ge [sflag:s21], $0x1000  }
0xf1: {  	[sflag:s21] =	ssyncset.done $0x0  }
0xf2: {  	[sflag:s21] =	ssyncadd.s32 $0xFFFFF000  }
0xf3: {  	[hbm4b:s22+s3] =	stream.linear.scatter [tilespmem:s7], [sflag:$0x2], $0x8000, $0x38;
	[tilespmem:$0x8400] =	vst v63  }
0xf4: {  	_ =	swait.ge [sflag:s4], $0x8000  }
0xf5: {  	[sflag:s4] =	ssyncset.done $0x0  }
0xf6: {  	[sflag:s4] =	ssyncadd.s32 $0xFFFF8000  }
0xf7: {  	[tilespmem:s3], [sflag:$0x2] =	stream.linear.gather [hbm4b:s23+s3], $0x400, $0x38;
	[tilespmem:$0x8400] =	vst v63  }
0xf8: {  	_ =	swait.ge [sflag:s4], $0x400  }
0xf9: {  	[sflag:s4] =	ssyncset.done $0x0  }
0xfa: {  	[sflag:s4] =	ssyncadd.s32 $0xFFFFFC00  }
0xfb: {  	[tilespmem:s7], [sflag:$0x1] =	stream.indirect.gather [hbm4b:s2+s6], $0x20, s3, s6, $0xb8;
	[tilespmem:$0x8400] =	vst v63  }
0xfc: {  	_ = 	snop  }
0xfd: {  	[tilespmem:s8], [sflag:$0x1] =	stream.indirect.gather [hbm4b:s2+s6], $0x20, s6, s6, $0xb8;
	[tilespmem:$0x8400] =	vst v63  }
0xfe: {  	_ = 	snop  }
0xff: {  	[tilespmem:s10], [sflag:$0x1] =	stream.indirect.gather [hbm4b:s2+s6], $0x20, s9, s6, $0xb8;
	[tilespmem:$0x8400] =	vst v63  }
0x100: {  	_ = 	snop  }
0x101: {  	[tilespmem:s12], [sflag:$0x1] =	stream.indirect.gather [hbm4b:s2+s6], $0x20, s11, s6, $0xb8;
	[tilespmem:$0x8400] =	vst v63  }
0x102: {  	_ = 	snop  }
0x103: {  	[tilespmem:s14], [sflag:$0x1] =	stream.indirect.gather [hbm4b:s2+s6], $0x20, s13, s6, $0xb8;
	[tilespmem:$0x8400] =	vst v63  }
0x104: {  	_ = 	snop  }
0x105: {  	[tilespmem:s16], [sflag:$0x1] =	stream.indirect.gather [hbm4b:s2+s6], $0x20, s15, s6, $0xb8;
	[tilespmem:$0x8400] =	vst v63  }
0x106: {  	_ = 	snop  }
0x107: {  	[tilespmem:s18], [sflag:$0x1] =	stream.indirect.gather [hbm4b:s2+s6], $0x20, s17, s6, $0xb8;
	[tilespmem:$0x8400] =	vst v63  }
0x108: {  	_ = 	snop  }
0x109: {  	[tilespmem:s20], [sflag:$0x1] =	stream.indirect.gather [hbm4b:s2+s6], $0x20, s19, s6, $0xb8;
	[tilespmem:$0x8400] =	vst v63  }
0x10a: {  	_ =	swait.ge [sflag:s21], $0x1000  }
0x10b: {  	[sflag:s21] =	ssyncset.done $0x0  }
0x10c: {  	[sflag:s21] =	ssyncadd.s32 $0xFFFFF000  }
0x10d: {  	_ =	swait.ge [sflag:s21], $0x1000  }
0x10e: {  	[sflag:s21] =	ssyncset.done $0x0  }
0x10f: {  	[sflag:s21] =	ssyncadd.s32 $0xFFFFF000  }
0x110: {  	_ =	swait.ge [sflag:s21], $0x1000  }
0x111: {  	[sflag:s21] =	ssyncset.done $0x0  }
0x112: {  	[sflag:s21] =	ssyncadd.s32 $0xFFFFF000  }
0x113: {  	_ =	swait.ge [sflag:s21], $0x1000  }
0x114: {  	[sflag:s21] =	ssyncset.done $0x0  }
0x115: {  	[sflag:s21] =	ssyncadd.s32 $0xFFFFF000  }
0x116: {  	_ =	swait.ge [sflag:s21], $0x1000  }
0x117: {  	[sflag:s21] =	ssyncset.done $0x0  }
0x118: {  	[sflag:s21] =	ssyncadd.s32 $0xFFFFF000  }
0x119: {  	_ =	swait.ge [sflag:s21], $0x1000  }
0x11a: {  	[sflag:s21] =	ssyncset.done $0x0  }
0x11b: {  	[sflag:s21] =	ssyncadd.s32 $0xFFFFF000  }
0x11c: {  	_ =	swait.ge [sflag:s21], $0x1000  }
0x11d: {  	[sflag:s21] =	ssyncset.done $0x0  }
0x11e: {  	[sflag:s21] =	ssyncadd.s32 $0xFFFFF000  }
0x11f: {  	_ =	swait.ge [sflag:s21], $0x1000  }
0x120: {  	[sflag:s21] =	ssyncset.done $0x0  }
0x121: {  	[sflag:s21] =	ssyncadd.s32 $0xFFFFF000  }
0x122: {  	[hbm4b:s24+s3] =	stream.linear.scatter [tilespmem:s7], [sflag:$0x2], $0x8000, $0x38;
	[tilespmem:$0x8400] =	vst v63  }
0x123: {  	_ =	swait.ge [sflag:s4], $0x8000  }
0x124: {  	[sflag:s4] =	ssyncset.done $0x0  }
0x125: {  	[sflag:s4] =	ssyncadd.s32 $0xFFFF8000  }
0x126: {  	[tilespmem:s3], [sflag:$0x2] =	stream.linear.gather [hbm4b:s25+s3], $0x400, $0x38;
	[tilespmem:$0x8400] =	vst v63  }
0x127: {  	_ =	swait.ge [sflag:s4], $0x400  }
0x128: {  	[sflag:s4] =	ssyncset.done $0x0  }
0x129: {  	[sflag:s4] =	ssyncadd.s32 $0xFFFFFC00  }
0x12a: {  	[tilespmem:s7], [sflag:$0x1] =	stream.indirect.gather [hbm4b:s2+s6], $0x20, s3, s6, $0xb8;
	[tilespmem:$0x8400] =	vst v63  }
0x12b: {  	_ = 	snop  }
0x12c: {  	[tilespmem:s8], [sflag:$0x1] =	stream.indirect.gather [hbm4b:s2+s6], $0x20, s6, s6, $0xb8;
	[tilespmem:$0x8400] =	vst v63  }
0x12d: {  	_ = 	snop  }
0x12e: {  	[tilespmem:s10], [sflag:$0x1] =	stream.indirect.gather [hbm4b:s2+s6], $0x20, s9, s6, $0xb8;
	[tilespmem:$0x8400] =	vst v63  }
0x12f: {  	_ = 	snop  }
0x130: {  	[tilespmem:s12], [sflag:$0x1] =	stream.indirect.gather [hbm4b:s2+s6], $0x20, s11, s6, $0xb8;
	[tilespmem:$0x8400] =	vst v63  }
0x131: {  	_ = 	snop  }
0x132: {  	[tilespmem:s14], [sflag:$0x1] =	stream.indirect.gather [hbm4b:s2+s6], $0x20, s13, s6, $0xb8;
	[tilespmem:$0x8400] =	vst v63  }
0x133: {  	_ = 	snop  }
0x134: {  	[tilespmem:s16], [sflag:$0x1] =	stream.indirect.gather [hbm4b:s2+s6], $0x20, s15, s6, $0xb8;
	[tilespmem:$0x8400] =	vst v63  }
0x135: {  	_ = 	snop  }
0x136: {  	[tilespmem:s18], [sflag:$0x1] =	stream.indirect.gather [hbm4b:s2+s6], $0x20, s17, s6, $0xb8;
	[tilespmem:$0x8400] =	vst v63  }
0x137: {  	_ = 	snop  }
0x138: {  	[tilespmem:s20], [sflag:$0x1] =	stream.indirect.gather [hbm4b:s2+s6], $0x20, s19, s6, $0xb8;
	[tilespmem:$0x8400] =	vst v63  }
0x139: {  	_ =	swait.ge [sflag:s21], $0x1000  }
0x13a: {  	[sflag:s21] =	ssyncset.done $0x0  }
0x13b: {  	[sflag:s21] =	ssyncadd.s32 $0xFFFFF000  }
0x13c: {  	_ =	swait.ge [sflag:s21], $0x1000  }
0x13d: {  	[sflag:s21] =	ssyncset.done $0x0  }
0x13e: {  	[sflag:s21] =	ssyncadd.s32 $0xFFFFF000  }
0x13f: {  	_ =	swait.ge [sflag:s21], $0x1000  }
0x140: {  	[sflag:s21] =	ssyncset.done $0x0  }
0x141: {  	[sflag:s21] =	ssyncadd.s32 $0xFFFFF000  }
0x142: {  	_ =	swait.ge [sflag:s21], $0x1000  }
0x143: {  	[sflag:s21] =	ssyncset.done $0x0  }
0x144: {  	[sflag:s21] =	ssyncadd.s32 $0xFFFFF000  }
0x145: {  	_ =	swait.ge [sflag:s21], $0x1000  }
0x146: {  	[sflag:s21] =	ssyncset.done $0x0  }
0x147: {  	[sflag:s21] =	ssyncadd.s32 $0xFFFFF000  }
0x148: {  	_ =	swait.ge [sflag:s21], $0x1000  }
0x149: {  	[sflag:s21] =	ssyncset.done $0x0  }
0x14a: {  	[sflag:s21] =	ssyncadd.s32 $0xFFFFF000  }
0x14b: {  	_ =	swait.ge [sflag:s21], $0x1000  }
0x14c: {  	[sflag:s21] =	ssyncset.done $0x0  }
0x14d: {  	[sflag:s21] =	ssyncadd.s32 $0xFFFFF000  }
0x14e: {  	_ =	swait.ge [sflag:s21], $0x1000  }
0x14f: {  	[sflag:s21] =	ssyncset.done $0x0  }
0x150: {  	[sflag:s21] =	ssyncadd.s32 $0xFFFFF000  }
0x151: {  	[hbm4b:s26+s3] =	stream.linear.scatter [tilespmem:s7], [sflag:$0x2], $0x8000, $0x38;
	[tilespmem:$0x8400] =	vst v63  }
0x152: {  	_ =	swait.ge [sflag:s4], $0x8000  }
0x153: {  	[sflag:s4] =	ssyncset.done $0x0  }
0x154: {  	[sflag:s4] =	ssyncadd.s32 $0xFFFF8000  }
0x155: {  	[tilespmem:s3], [sflag:$0x2] =	stream.linear.gather [hbm4b:s28+s3], $0x400, $0x38;
	[tilespmem:$0x8400] =	vst v63  }
0x156: {  	_ =	swait.ge [sflag:s4], $0x400  }
0x157: {  	[sflag:s4] =	ssyncset.done $0x0  }
0x158: {  	[sflag:s4] =	ssyncadd.s32 $0xFFFFFC00  }
0x159: {  	[tilespmem:s7], [sflag:$0x1] =	stream.indirect.gather [hbm4b:s2+s6], $0x20, s3, s6, $0xb8;
	[tilespmem:$0x8400] =	vst v63  }
0x15a: {  	_ = 	snop  }
0x15b: {  	[tilespmem:s8], [sflag:$0x1] =	stream.indirect.gather [hbm4b:s2+s6], $0x20, s6, s6, $0xb8;
	[tilespmem:$0x8400] =	vst v63  }
0x15c: {  	_ = 	snop  }
0x15d: {  	[tilespmem:s10], [sflag:$0x1] =	stream.indirect.gather [hbm4b:s2+s6], $0x20, s9, s6, $0xb8;
	[tilespmem:$0x8400] =	vst v63  }
0x15e: {  	_ = 	snop  }
0x15f: {  	[tilespmem:s12], [sflag:$0x1] =	stream.indirect.gather [hbm4b:s2+s6], $0x20, s11, s6, $0xb8;
	[tilespmem:$0x8400] =	vst v63  }
0x160: {  	_ = 	snop  }
0x161: {  	[tilespmem:s14], [sflag:$0x1] =	stream.indirect.gather [hbm4b:s2+s6], $0x20, s13, s6, $0xb8;
	[tilespmem:$0x8400] =	vst v63  }
0x162: {  	_ = 	snop  }
0x163: {  	[tilespmem:s16], [sflag:$0x1] =	stream.indirect.gather [hbm4b:s2+s6], $0x20, s15, s6, $0xb8;
	[tilespmem:$0x8400] =	vst v63  }
0x164: {  	_ = 	snop  }
0x165: {  	[tilespmem:s18], [sflag:$0x1] =	stream.indirect.gather [hbm4b:s2+s6], $0x20, s17, s6, $0xb8;
	[tilespmem:$0x8400] =	vst v63  }
0x166: {  	_ = 	snop  }
0x167: {  	[tilespmem:s20], [sflag:$0x1] =	stream.indirect.gather [hbm4b:s2+s6], $0x20, s19, s6, $0xb8;
	[tilespmem:$0x8400] =	vst v63  }
0x168: {  	_ =	swait.ge [sflag:s21], $0x1000  }
0x169: {  	[sflag:s21] =	ssyncset.done $0x0  }
0x16a: {  	[sflag:s21] =	ssyncadd.s32 $0xFFFFF000  }
0x16b: {  	_ =	swait.ge [sflag:s21], $0x1000  }
0x16c: {  	[sflag:s21] =	ssyncset.done $0x0  }
0x16d: {  	[sflag:s21] =	ssyncadd.s32 $0xFFFFF000  }
0x16e: {  	_ =	swait.ge [sflag:s21], $0x1000  }
0x16f: {  	[sflag:s21] =	ssyncset.done $0x0  }
0x170: {  	[sflag:s21] =	ssyncadd.s32 $0xFFFFF000  }
0x171: {  	_ =	swait.ge [sflag:s21], $0x1000  }
0x172: {  	[sflag:s21] =	ssyncset.done $0x0  }
0x173: {  	[sflag:s21] =	ssyncadd.s32 $0xFFFFF000  }
0x174: {  	_ =	swait.ge [sflag:s21], $0x1000  }
0x175: {  	[sflag:s21] =	ssyncset.done $0x0  }
0x176: {  	[sflag:s21] =	ssyncadd.s32 $0xFFFFF000  }
0x177: {  	_ =	swait.ge [sflag:s21], $0x1000  }
0x178: {  	[sflag:s21] =	ssyncset.done $0x0  }
0x179: {  	[sflag:s21] =	ssyncadd.s32 $0xFFFFF000  }
0x17a: {  	_ =	swait.ge [sflag:s21], $0x1000  }
0x17b: {  	[sflag:s21] =	ssyncset.done $0x0  }
0x17c: {  	[sflag:s21] =	ssyncadd.s32 $0xFFFFF000  }
0x17d: {  	_ =	swait.ge [sflag:s21], $0x1000  }
.Ltmp2:
0x17e: {  	[sflag:s21] =	ssyncset.done $0x0;
	(pc) =	sbr.rel @p0 .LBB2_2-.Ltmp2, $4  }
0x17f: {  	[sflag:s21] =	ssyncadd.s32 $0xFFFFF000  }
0x180: {  	[hbm4b:s29+s3] =	stream.linear.scatter [tilespmem:s7], [sflag:$0x2], $0x8000, $0x38;
	[tilespmem:$0x8400] =	vst v63  }
0x181: {  	_ =	swait.ge [sflag:s4], $0x8000  }
0x182: {  	[sflag:s4] =	ssyncset.done $0x0  }
.LBB2_3:
0x183: {  	[sflag:s4] =	ssyncadd.s32 $0xFFFF8000  }
.LBB2_4:
0x184: {  	_ =	sfence.sel $0x180000  }
0x185: {  	[bflag:$0x0] =	sbarrier.arrive $0xFFFF  }
0x186: {  	p0 =	sne.s32 s0, $0x0;
	_ =	strace $0x90000047  }
0x187: {  	s0 =	sadd.s32 @!p0 $0x100000, s1;
	[bflag:$0x2] =	sbarrier.arrive $0xFFFF  }
0x188: {  	[sflag:s0] =	ssyncadd.tile.s32 @!p0 $0x1;
	_ =	shalt  }
.Lfunc_end2:
_tile_overlayer_lowered:
.L_overlay_start_2:
0x189: {  	(tag) =	ssettag $0x2  }
0x18a: {  	s0 =	rddreg [dreg:$0x0];
	s2 =	stileid.u32  }
0x18b: {  	s1 =	rddreg [dreg:$0x1];
	p0 =	sne.s32 s2, $0x0  }
0x18c: {  	s3 =	rddreg [dreg:$0x2];
	[bflag:$0x3] =	sbarrier.arrive $0xFFFF;
	s2 =	simm.s32 @!p0 $0x1C02  }
0x18d: {  	[timem:s3], [sflag:s2] =	dma.local @!p0 [hbm:s0], s1  }
0x18e: {  	s0 =	simm.s32 @!p0 $0x2  }
0x18f: {  	_ =	swait.ge @!p0 [sflag:s0], s1  }
0x190: {  	s1 =	ssub.s32 @!p0 $0x0, s1;
	[sflag:s0] =	ssyncset.done @!p0 $0x0  }
0x191: {  	[sflag:s0] =	ssyncadd.s32 @!p0 s1  }
0x192: {  	[bflag:$0x3] =	sbarrier.arrive $0xFFFF  }
0x193: {  	_ =	shalt  }

</sc_bundles>
